<compile_context>
chip_gen: v7x
topology: tpu7x:2x2x1
jax: 0.10.2.dev20260603
libtpu: 0.0.44.dev20260713+nightly
codegen_flags: <defaults>
</compile_context>

<pallas_src>
import functools

import jax
import jax.numpy as jnp
from jax import lax
from jax.experimental import pallas as pl
from jax.experimental.pallas import tpu as pltpu
from jax.experimental.pallas import tpu_sc as plsc

F = 26
V = 100000
D = 32
B = 4096

NC = 2
NS = 16
NW = NC * NS
UNITS = F * D
UPW = UNITS // NW
NG = B // 16
H0 = 49920
H1 = V - H0


@functools.partial(
    pl.kernel,
    mesh=plsc.VectorSubcoreMesh(core_axis_name="c", subcore_axis_name="s"),
    out_type=jax.ShapeDtypeStruct((F, D, B), jnp.float32),
    scratch_types=[
        pltpu.VMEM((B,), jnp.int32),
        pltpu.VMEM((H0,), jnp.float32),
        pltpu.VMEM((H1,), jnp.float32),
        pltpu.VMEM((2, B), jnp.float32),
        pltpu.SemaphoreType.DMA,
        pltpu.SemaphoreType.DMA,
    ],
    compiler_params=pltpu.CompilerParams(
        use_tc_tiling_on_sc=True, needs_layout_passes=False
    ),
)
def _embed_gather(
    x_hbm, tab_hbm, out_hbm, x_v, rowa_v, rowb_v, out_v, sem_r, sem_o
):
    wid = lax.axis_index("s") * NC + lax.axis_index("c")
    u0 = wid * UPW
    lane = lax.broadcasted_iota(jnp.int32, (16,), 0)

    def fd(u):
        f = u // D
        return f, u - f * D

    def fire_piece(k, h):
        f, d = fd(u0 + k)
        src = tab_hbm.at[f, d]
        if h == 0:
            pltpu.make_async_copy(src.at[pl.ds(0, H0)], rowa_v, sem_r).start()
        else:
            pltpu.make_async_copy(src.at[pl.ds(H0, H1)], rowb_v, sem_r).start()

    def wait_piece(h):
        src = tab_hbm.at[0, 0]
        if h == 0:
            pltpu.make_async_copy(src.at[pl.ds(0, H0)], rowa_v, sem_r).wait()
        else:
            pltpu.make_async_copy(src.at[pl.ds(H0, H1)], rowb_v, sem_r).wait()

    def gather_pass(row_ref, base, size, oslot16):
        def gather(i, c2):
            pos = i * 16 + lane
            idx16 = x_v[pl.ds(i * 16, 16)]
            rel = idx16 - base
            inb = (rel >= 0) & (rel < size)
            relc = lax.max(0, lax.min(rel, size - 1))
            val = plsc.load_gather(row_ref, [relc])
            plsc.store_scatter(out_v, [oslot16, pos], val, mask=inb)
            return c2

        lax.fori_loop(0, NG, gather, 0, unroll=8)

    fire_piece(0, 0)
    fire_piece(0, 1)

    def step(k, prev_f):
        oslot = k % 2
        f, d = fd(u0 + k)
        oslot16 = jnp.full((16,), oslot, dtype=jnp.int32)

        @pl.when(f != prev_f)
        def _():
            pltpu.sync_copy(x_hbm.at[f], x_v)

        @pl.when(k >= 2)
        def _():
            pltpu.make_async_copy(out_v.at[0], out_hbm.at[0, 0], sem_o).wait()

        wait_piece(0)
        gather_pass(rowa_v, 0, H0, oslot16)

        @pl.when(k + 1 < UPW)
        def _():
            fire_piece(k + 1, 0)

        wait_piece(1)
        gather_pass(rowb_v, H0, H1, oslot16)

        @pl.when(k + 1 < UPW)
        def _():
            fire_piece(k + 1, 1)

        pltpu.make_async_copy(out_v.at[oslot], out_hbm.at[f, d], sem_o).start()
        return f

    lax.fori_loop(0, UPW, step, jnp.int32(-1))

    pltpu.make_async_copy(out_v.at[0], out_hbm.at[0, 0], sem_o).wait()
    pltpu.make_async_copy(out_v.at[0], out_hbm.at[0, 0], sem_o).wait()


def kernel(x, tables):
    x_t = x.astype(jnp.int32).T
    tab_t = tables.transpose(0, 2, 1)
    out_t = _embed_gather(x_t, tab_t)
    return out_t.transpose(2, 0, 1)

# --- scband reference (transcript-rebuilt; emitter-appended) ---
"""Pipeline reference for scband-embedding-layer-36215164240551 (READ-ONLY COPY).

The authoritative reference and input builder live on the scoring server;
editing this copy changes nothing except your own understanding.
"""

import jax, jax.numpy as jnp
import numpy as np

NUM_FIELDS = 26
VOCAB = 100000
EMBED_DIM = 32
BATCH = 4096


def setup_inputs(seed: int = 0) -> dict:
    key = jax.random.key(seed)
    k_idx, k_tab = jax.random.split(key)
    x = jax.random.randint(k_idx, (BATCH, NUM_FIELDS), 0, VOCAB, dtype=jnp.int64 if jax.config.jax_enable_x64 else jnp.int32)
    # One embedding table per field, materialized as a stacked array [F, vocab, dim]
    tables = jax.random.normal(k_tab, (NUM_FIELDS, VOCAB, EMBED_DIM), dtype=jnp.float32)
    return {"x": x, "tables": tables}


def reference(x, tables):
    # embed_list = [emb_i(x[:, i]) for each field]; stack along dim=1
    embed_list = [jnp.take(tables[i], x[:, i], axis=0) for i in range(NUM_FIELDS)]
    return jnp.stack(embed_list, axis=1)  # [B, F, D]

if __name__ == "__main__":
    import jax
    _d = setup_inputs()
    print(jax.jit(kernel)(*tuple(_d.values())))

</pallas_src>

<mosaic_0001>
#map = affine_map<(d0, d1) -> (0, 0)>
#map1 = affine_map<(d0, d1) -> (0, 0, 0)>
module attributes {stable_mosaic.version = 14 : i64} {
  func.func @_embed_gather(%arg0: i32, %arg1: i32, %arg2: memref<26x4096xi32, #tpu.memory_space<hbm>>, %arg3: memref<26x32x100000xf32, #tpu.memory_space<hbm>>, %arg4: memref<26x32x4096xf32, #tpu.memory_space<hbm>>, %arg5: memref<4096xi32, #tpu.memory_space<vmem>>, %arg6: memref<49920xf32, #tpu.memory_space<vmem>>, %arg7: memref<50080xf32, #tpu.memory_space<vmem>>, %arg8: memref<2x4096xf32, #tpu.memory_space<vmem>>, %arg9: memref<!tpu.dma_semaphore, #tpu.memory_space<semaphore_mem>>, %arg10: memref<!tpu.dma_semaphore, #tpu.memory_space<semaphore_mem>>) attributes {dimension_semantics = [#tpu.dimension_semantics<core_parallel>, #tpu.dimension_semantics<subcore_parallel>], iteration_bounds = array<i64: 2, 16>, scalar_prefetch = 0 : i64, scratch_operands = 6 : i64, tpu.core_type = #tpu.core_type<sc_vector_subcore>, window_params = [{transform_indices = #map}, {transform_indices = #map1}, {transform_indices = #map1}]} {
    %mul3A = arith.constant 2 : i32
    %mul3A_0 = arith.muli %arg1, %mul3A : i32
    %add3A = arith.addi %mul3A_0, %arg0 : i32
    %mul3A_1 = arith.constant 26 : i32
    %mul3A_2 = arith.muli %add3A, %mul3A_1 : i32
    %iota3A = tpu.iota {dimensions = array<i32: 0>} : vector<16xi32>
    %add3A_3 = arith.constant 0 : i32
    %add3A_4 = arith.addi %mul3A_2, %add3A_3 : i32
    %jit3A = arith.constant 32 : i32
    %div3A = arith.divsi %add3A_4, %jit3A : i32
    %sign3A = arith.constant 0 : i32
    %sign3A_5 = arith.cmpi sgt, %add3A_4, %sign3A : i32
    %sign3A_6 = arith.extui %sign3A_5 : i1 to i32
    %sign3A_7 = arith.constant 0 : i32
    %sign3A_8 = arith.cmpi slt, %add3A_4, %sign3A_7 : i32
    %sign3A_9 = arith.extui %sign3A_8 : i1 to i32
    %sign3A_10 = arith.subi %sign3A_6, %sign3A_9 : i32
    %sign3A_11 = arith.constant 0 : i32
    %sign3A_12 = arith.cmpi sgt, %jit3A, %sign3A_11 : i32
    %sign3A_13 = arith.extui %sign3A_12 : i1 to i32
    %sign3A_14 = arith.constant 0 : i32
    %sign3A_15 = arith.cmpi slt, %jit3A, %sign3A_14 : i32
    %sign3A_16 = arith.extui %sign3A_15 : i1 to i32
    %sign3A_17 = arith.subi %sign3A_13, %sign3A_16 : i32
    %ne3A = arith.cmpi ne, %sign3A_10, %sign3A_17 : i32
    %rem3A = arith.remsi %add3A_4, %jit3A : i32
    %ne3A_18 = arith.constant 0 : i32
    %ne3A_19 = arith.cmpi ne, %rem3A, %ne3A_18 : i32
    %and3A = arith.andi %ne3A, %ne3A_19 : i1
    %sub3A = arith.constant 1 : i32
    %sub3A_20 = arith.subi %div3A, %sub3A : i32
    %select_n3A = arith.select %and3A, %sub3A_20, %div3A : i32
    %mul3A_21 = arith.constant 32 : i32
    %mul3A_22 = arith.muli %select_n3A, %mul3A_21 : i32
    %sub3A_23 = arith.subi %add3A_4, %mul3A_22 : i32
    %dma_start3A = arith.constant 0 : i32
    %dma_start3A_24 = tpu.memref_slice %arg3[%select_n3A, %sub3A_23, %dma_start3A] : memref<26x32x100000xf32, #tpu.memory_space<hbm>> -> memref<1x1x100000xf32, #tpu.memory_space<hbm>>
    %dma_start3A_25 = tpu.memref_squeeze %dma_start3A_24 : memref<1x1x100000xf32, #tpu.memory_space<hbm>> -> memref<100000xf32, #tpu.memory_space<hbm>>
    %dma_start3A_26 = arith.constant 0 : i32
    %dma_start3A_27 = tpu.memref_slice %dma_start3A_25[%dma_start3A_26] : memref<100000xf32, #tpu.memory_space<hbm>> -> memref<49920xf32, #tpu.memory_space<hbm>>
    %dma_start3A_28 = arith.constant 0 : i32
    %dma_start3A_29 = tpu.memref_slice %arg3[%select_n3A, %sub3A_23, %dma_start3A_28] : memref<26x32x100000xf32, #tpu.memory_space<hbm>> -> memref<1x1x100000xf32, #tpu.memory_space<hbm>>
    %dma_start3A_30 = tpu.memref_squeeze %dma_start3A_29 : memref<1x1x100000xf32, #tpu.memory_space<hbm>> -> memref<100000xf32, #tpu.memory_space<hbm>>
    %dma_start3A_31 = arith.constant 0 : i32
    %dma_start3A_32 = tpu.memref_slice %dma_start3A_30[%dma_start3A_31] : memref<100000xf32, #tpu.memory_space<hbm>> -> memref<49920xf32, #tpu.memory_space<hbm>>
    tpu.enqueue_dma source(%dma_start3A_32 : memref<49920xf32, #tpu.memory_space<hbm>>) target(%arg6 : memref<49920xf32, #tpu.memory_space<vmem>>) target_semaphore(%arg9 : memref<!tpu.dma_semaphore, #tpu.memory_space<semaphore_mem>>)
    %add3A_33 = arith.constant 0 : i32
    %add3A_34 = arith.addi %mul3A_2, %add3A_33 : i32
    %jit3A_35 = arith.constant 32 : i32
    %div3A_36 = arith.divsi %add3A_34, %jit3A_35 : i32
    %sign3A_37 = arith.constant 0 : i32
    %sign3A_38 = arith.cmpi sgt, %add3A_34, %sign3A_37 : i32
    %sign3A_39 = arith.extui %sign3A_38 : i1 to i32
    %sign3A_40 = arith.constant 0 : i32
    %sign3A_41 = arith.cmpi slt, %add3A_34, %sign3A_40 : i32
    %sign3A_42 = arith.extui %sign3A_41 : i1 to i32
    %sign3A_43 = arith.subi %sign3A_39, %sign3A_42 : i32
    %sign3A_44 = arith.constant 0 : i32
    %sign3A_45 = arith.cmpi sgt, %jit3A_35, %sign3A_44 : i32
    %sign3A_46 = arith.extui %sign3A_45 : i1 to i32
    %sign3A_47 = arith.constant 0 : i32
    %sign3A_48 = arith.cmpi slt, %jit3A_35, %sign3A_47 : i32
    %sign3A_49 = arith.extui %sign3A_48 : i1 to i32
    %sign3A_50 = arith.subi %sign3A_46, %sign3A_49 : i32
    %ne3A_51 = arith.cmpi ne, %sign3A_43, %sign3A_50 : i32
    %rem3A_52 = arith.remsi %add3A_34, %jit3A_35 : i32
    %ne3A_53 = arith.constant 0 : i32
    %ne3A_54 = arith.cmpi ne, %rem3A_52, %ne3A_53 : i32
    %and3A_55 = arith.andi %ne3A_51, %ne3A_54 : i1
    %sub3A_56 = arith.constant 1 : i32
    %sub3A_57 = arith.subi %div3A_36, %sub3A_56 : i32
    %select_n3A_58 = arith.select %and3A_55, %sub3A_57, %div3A_36 : i32
    %mul3A_59 = arith.constant 32 : i32
    %mul3A_60 = arith.muli %select_n3A_58, %mul3A_59 : i32
    %sub3A_61 = arith.subi %add3A_34, %mul3A_60 : i32
    %dma_start3A_62 = arith.constant 0 : i32
    %dma_start3A_63 = tpu.memref_slice %arg3[%select_n3A_58, %sub3A_61, %dma_start3A_62] : memref<26x32x100000xf32, #tpu.memory_space<hbm>> -> memref<1x1x100000xf32, #tpu.memory_space<hbm>>
    %dma_start3A_64 = tpu.memref_squeeze %dma_start3A_63 : memref<1x1x100000xf32, #tpu.memory_space<hbm>> -> memref<100000xf32, #tpu.memory_space<hbm>>
    %dma_start3A_65 = arith.constant 49920 : i32
    %dma_start3A_66 = tpu.memref_slice %dma_start3A_64[%dma_start3A_65] : memref<100000xf32, #tpu.memory_space<hbm>> -> memref<50080xf32, #tpu.memory_space<hbm>>
    %dma_start3A_67 = arith.constant 0 : i32
    %dma_start3A_68 = tpu.memref_slice %arg3[%select_n3A_58, %sub3A_61, %dma_start3A_67] : memref<26x32x100000xf32, #tpu.memory_space<hbm>> -> memref<1x1x100000xf32, #tpu.memory_space<hbm>>
    %dma_start3A_69 = tpu.memref_squeeze %dma_start3A_68 : memref<1x1x100000xf32, #tpu.memory_space<hbm>> -> memref<100000xf32, #tpu.memory_space<hbm>>
    %dma_start3A_70 = arith.constant 49920 : i32
    %dma_start3A_71 = tpu.memref_slice %dma_start3A_69[%dma_start3A_70] : memref<100000xf32, #tpu.memory_space<hbm>> -> memref<50080xf32, #tpu.memory_space<hbm>>
    tpu.enqueue_dma source(%dma_start3A_71 : memref<50080xf32, #tpu.memory_space<hbm>>) target(%arg7 : memref<50080xf32, #tpu.memory_space<vmem>>) target_semaphore(%arg9 : memref<!tpu.dma_semaphore, #tpu.memory_space<semaphore_mem>>)
    %scan3A = arith.constant -1 : i32
    %scan3A_72 = arith.constant 0 : i32
    %scan3A_73 = arith.constant 26 : i32
    %scan3A_74 = arith.addi %scan3A_72, %scan3A_73 : i32
    %scan3A_75 = arith.constant 1 : i32
    %scan3A_76 = scf.for %scan3A_107 = %scan3A_72 to %scan3A_74 step %scan3A_75 iter_args(%scan3A_108 = %scan3A) -> (i32)  : i32 {
      %jit3A_109 = arith.constant 2 : i32
      %eq3A = arith.constant 0 : i32
      %eq3A_110 = arith.cmpi eq, %jit3A_109, %eq3A : i32
      %jit3A_111 = arith.constant 1 : i32
      %select_n3A_112 = arith.select %eq3A_110, %jit3A_111, %jit3A_109 : i32
      %rem3A_113 = arith.remsi %scan3A_107, %select_n3A_112 : i32
      %ne3A_114 = arith.constant 0 : i32
      %ne3A_115 = arith.cmpi ne, %rem3A_113, %ne3A_114 : i32
      %lt3A = arith.constant 0 : i32
      %lt3A_116 = arith.cmpi slt, %rem3A_113, %lt3A : i32
      %lt3A_117 = arith.constant 0 : i32
      %lt3A_118 = arith.cmpi slt, %select_n3A_112, %lt3A_117 : i32
      %ne3A_119 = arith.xori %lt3A_116, %lt3A_118 : i1
      %and3A_120 = arith.andi %ne3A_119, %ne3A_115 : i1
      %add3A_121 = arith.addi %rem3A_113, %select_n3A_112 : i32
      %select_n3A_122 = arith.select %and3A_120, %add3A_121, %rem3A_113 : i32
      %add3A_123 = arith.addi %mul3A_2, %scan3A_107 : i32
      %jit3A_124 = arith.constant 32 : i32
      %div3A_125 = arith.divsi %add3A_123, %jit3A_124 : i32
      %sign3A_126 = arith.constant 0 : i32
      %sign3A_127 = arith.cmpi sgt, %add3A_123, %sign3A_126 : i32
      %sign3A_128 = arith.extui %sign3A_127 : i1 to i32
      %sign3A_129 = arith.constant 0 : i32
      %sign3A_130 = arith.cmpi slt, %add3A_123, %sign3A_129 : i32
      %sign3A_131 = arith.extui %sign3A_130 : i1 to i32
      %sign3A_132 = arith.subi %sign3A_128, %sign3A_131 : i32
      %sign3A_133 = arith.constant 0 : i32
      %sign3A_134 = arith.cmpi sgt, %jit3A_124, %sign3A_133 : i32
      %sign3A_135 = arith.extui %sign3A_134 : i1 to i32
      %sign3A_136 = arith.constant 0 : i32
      %sign3A_137 = arith.cmpi slt, %jit3A_124, %sign3A_136 : i32
      %sign3A_138 = arith.extui %sign3A_137 : i1 to i32
      %sign3A_139 = arith.subi %sign3A_135, %sign3A_138 : i32
      %ne3A_140 = arith.cmpi ne, %sign3A_132, %sign3A_139 : i32
      %rem3A_141 = arith.remsi %add3A_123, %jit3A_124 : i32
      %ne3A_142 = arith.constant 0 : i32
      %ne3A_143 = arith.cmpi ne, %rem3A_141, %ne3A_142 : i32
      %and3A_144 = arith.andi %ne3A_140, %ne3A_143 : i1
      %sub3A_145 = arith.constant 1 : i32
      %sub3A_146 = arith.subi %div3A_125, %sub3A_145 : i32
      %select_n3A_147 = arith.select %and3A_144, %sub3A_146, %div3A_125 : i32
      %mul3A_148 = arith.constant 32 : i32
      %mul3A_149 = arith.muli %select_n3A_147, %mul3A_148 : i32
      %sub3A_150 = arith.subi %add3A_123, %mul3A_149 : i32
      %broadcast_in_dim3A = vector.broadcast %select_n3A_122 : i32 to vector<16xi32>
      %ne3A_151 = arith.cmpi ne, %select_n3A_147, %scan3A_108 : i32
      %convert_element_type3A = arith.extui %ne3A_151 : i1 to i32
      %cond3A = arith.constant 0 : i32
      %cond3A_152 = arith.cmpi ne, %convert_element_type3A, %cond3A : i32
      scf.if %cond3A_152 {
        "tpu.region"() ({
          %run_scoped3A = tpu.sem_alloc : memref<!tpu.dma_semaphore, #tpu.memory_space<semaphore_mem>>
          %dma_start3A_219 = arith.constant 0 : i32
          %dma_start3A_220 = tpu.memref_slice %arg2[%select_n3A_147, %dma_start3A_219] : memref<26x4096xi32, #tpu.memory_space<hbm>> -> memref<1x4096xi32, #tpu.memory_space<hbm>>
          %dma_start3A_221 = tpu.memref_squeeze %dma_start3A_220 : memref<1x4096xi32, #tpu.memory_space<hbm>> -> memref<4096xi32, #tpu.memory_space<hbm>>
          %dma_start3A_222 = arith.constant 0 : i32
          %dma_start3A_223 = tpu.memref_slice %arg2[%select_n3A_147, %dma_start3A_222] : memref<26x4096xi32, #tpu.memory_space<hbm>> -> memref<1x4096xi32, #tpu.memory_space<hbm>>
          %dma_start3A_224 = tpu.memref_squeeze %dma_start3A_223 : memref<1x4096xi32, #tpu.memory_space<hbm>> -> memref<4096xi32, #tpu.memory_space<hbm>>
          tpu.enqueue_dma source(%dma_start3A_224 : memref<4096xi32, #tpu.memory_space<hbm>>) target(%arg5 : memref<4096xi32, #tpu.memory_space<vmem>>) target_semaphore(%run_scoped3A : memref<!tpu.dma_semaphore, #tpu.memory_space<semaphore_mem>>)
          %dma_wait3A_225 = arith.constant 0 : i32
          %dma_wait3A_226 = tpu.memref_slice %arg2[%select_n3A_147, %dma_wait3A_225] : memref<26x4096xi32, #tpu.memory_space<hbm>> -> memref<1x4096xi32, #tpu.memory_space<hbm>>
          %dma_wait3A_227 = tpu.memref_squeeze %dma_wait3A_226 : memref<1x4096xi32, #tpu.memory_space<hbm>> -> memref<4096xi32, #tpu.memory_space<hbm>>
          %dma_wait3A_228 = arith.constant 0 : i32
          %dma_wait3A_229 = tpu.memref_slice %arg2[%select_n3A_147, %dma_wait3A_228] : memref<26x4096xi32, #tpu.memory_space<hbm>> -> memref<1x4096xi32, #tpu.memory_space<hbm>>
          %dma_wait3A_230 = tpu.memref_squeeze %dma_wait3A_229 : memref<1x4096xi32, #tpu.memory_space<hbm>> -> memref<4096xi32, #tpu.memory_space<hbm>>
          tpu.wait_dma2 semaphore(%run_scoped3A : memref<!tpu.dma_semaphore, #tpu.memory_space<semaphore_mem>>) src(%dma_wait3A_230 : memref<4096xi32, #tpu.memory_space<hbm>>) dst(%arg5 : memref<4096xi32, #tpu.memory_space<vmem>>)
          tpu.yield
        }) : () -> ()
      } else {
      }
      %ge3A = arith.constant 2 : i32
      %ge3A_153 = arith.cmpi sge, %scan3A_107, %ge3A : i32
      %convert_element_type3A_154 = arith.extui %ge3A_153 : i1 to i32
      %cond3A_155 = arith.constant 0 : i32
      %cond3A_156 = arith.cmpi ne, %convert_element_type3A_154, %cond3A_155 : i32
      scf.if %cond3A_156 {
        %dma_wait3A_219 = arith.constant 0 : i32
        %dma_wait3A_220 = arith.constant 0 : i32
        %dma_wait3A_221 = arith.constant 0 : i32
        %dma_wait3A_222 = arith.constant 0 : i32
        %dma_wait3A_223 = tpu.memref_slice %arg8[%dma_wait3A_219, %dma_wait3A_222] : memref<2x4096xf32, #tpu.memory_space<vmem>> -> memref<1x4096xf32, #tpu.memory_space<vmem>>
        %dma_wait3A_224 = tpu.memref_squeeze %dma_wait3A_223 : memref<1x4096xf32, #tpu.memory_space<vmem>> -> memref<4096xf32, #tpu.memory_space<vmem>>
        %dma_wait3A_225 = arith.constant 0 : i32
        %dma_wait3A_226 = tpu.memref_slice %arg4[%dma_wait3A_220, %dma_wait3A_221, %dma_wait3A_225] : memref<26x32x4096xf32, #tpu.memory_space<hbm>> -> memref<1x1x4096xf32, #tpu.memory_space<hbm>>
        %dma_wait3A_227 = tpu.memref_squeeze %dma_wait3A_226 : memref<1x1x4096xf32, #tpu.memory_space<hbm>> -> memref<4096xf32, #tpu.memory_space<hbm>>
        %dma_wait3A_228 = arith.constant 0 : i32
        %dma_wait3A_229 = tpu.memref_slice %arg4[%dma_wait3A_220, %dma_wait3A_221, %dma_wait3A_228] : memref<26x32x4096xf32, #tpu.memory_space<hbm>> -> memref<1x1x4096xf32, #tpu.memory_space<hbm>>
        %dma_wait3A_230 = tpu.memref_squeeze %dma_wait3A_229 : memref<1x1x4096xf32, #tpu.memory_space<hbm>> -> memref<4096xf32, #tpu.memory_space<hbm>>
        %dma_wait3A_231 = arith.constant 0 : i32
        %dma_wait3A_232 = tpu.memref_slice %arg8[%dma_wait3A_219, %dma_wait3A_231] : memref<2x4096xf32, #tpu.memory_space<vmem>> -> memref<1x4096xf32, #tpu.memory_space<vmem>>
        %dma_wait3A_233 = tpu.memref_squeeze %dma_wait3A_232 : memref<1x4096xf32, #tpu.memory_space<vmem>> -> memref<4096xf32, #tpu.memory_space<vmem>>
        tpu.wait_dma2 semaphore(%arg10 : memref<!tpu.dma_semaphore, #tpu.memory_space<semaphore_mem>>) src(%dma_wait3A_233 : memref<4096xf32, #tpu.memory_space<vmem>>) dst(%dma_wait3A_230 : memref<4096xf32, #tpu.memory_space<hbm>>)
      } else {
      }
      %dma_wait3A_157 = arith.constant 0 : i32
      %dma_wait3A_158 = arith.constant 0 : i32
      %dma_wait3A_159 = arith.constant 0 : i32
      %dma_wait3A_160 = tpu.memref_slice %arg3[%dma_wait3A_157, %dma_wait3A_158, %dma_wait3A_159] : memref<26x32x100000xf32, #tpu.memory_space<hbm>> -> memref<1x1x100000xf32, #tpu.memory_space<hbm>>
      %dma_wait3A_161 = tpu.memref_squeeze %dma_wait3A_160 : memref<1x1x100000xf32, #tpu.memory_space<hbm>> -> memref<100000xf32, #tpu.memory_space<hbm>>
      %dma_wait3A_162 = arith.constant 0 : i32
      %dma_wait3A_163 = tpu.memref_slice %dma_wait3A_161[%dma_wait3A_162] : memref<100000xf32, #tpu.memory_space<hbm>> -> memref<49920xf32, #tpu.memory_space<hbm>>
      %dma_wait3A_164 = arith.constant 0 : i32
      %dma_wait3A_165 = tpu.memref_slice %arg3[%dma_wait3A_157, %dma_wait3A_158, %dma_wait3A_164] : memref<26x32x100000xf32, #tpu.memory_space<hbm>> -> memref<1x1x100000xf32, #tpu.memory_space<hbm>>
      %dma_wait3A_166 = tpu.memref_squeeze %dma_wait3A_165 : memref<1x1x100000xf32, #tpu.memory_space<hbm>> -> memref<100000xf32, #tpu.memory_space<hbm>>
      %dma_wait3A_167 = arith.constant 0 : i32
      %dma_wait3A_168 = tpu.memref_slice %dma_wait3A_166[%dma_wait3A_167] : memref<100000xf32, #tpu.memory_space<hbm>> -> memref<49920xf32, #tpu.memory_space<hbm>>
      tpu.wait_dma2 semaphore(%arg9 : memref<!tpu.dma_semaphore, #tpu.memory_space<semaphore_mem>>) src(%dma_wait3A_168 : memref<49920xf32, #tpu.memory_space<hbm>>) dst(%arg6 : memref<49920xf32, #tpu.memory_space<vmem>>)
      %scan3A_169 = arith.constant 0 : i32
      %scan3A_170 = arith.constant 0 : i32
      %scan3A_171 = arith.constant 256 : i32
      %scan3A_172 = arith.addi %scan3A_170, %scan3A_171 : i32
      %scan3A_173 = arith.constant 8 : i32
      scf.for %scan3A_219 = %scan3A_170 to %scan3A_172 step %scan3A_173  : i32 {
        %mul3A_220 = arith.constant 16 : i32
        %mul3A_221 = arith.muli %scan3A_219, %mul3A_220 : i32
        %add3A_222 = vector.broadcast %mul3A_221 : i32 to vector<16xi32>
        %add3A_223 = arith.addi %add3A_222, %iota3A : vector<16xi32>
        %mul3A_224 = arith.constant 16 : i32
        %mul3A_225 = arith.muli %scan3A_219, %mul3A_224 : i32
        %get3A = arith.index_cast %mul3A_225 : i32 to index
        %get3A_226 = tpu.vector_load %arg5[%get3A] {strides = array<i32>} : memref<4096xi32, #tpu.memory_space<vmem>>, vector<16xi32>,
        %sub3A_227 = arith.constant 0 : i32
        %sub3A_228 = vector.broadcast %sub3A_227 : i32 to vector<16xi32>
        %sub3A_229 = arith.subi %get3A_226, %sub3A_228 : vector<16xi32>
        %ge3A_230 = arith.constant 0 : i32
        %ge3A_231 = vector.broadcast %ge3A_230 : i32 to vector<16xi32>
        %ge3A_232 = arith.cmpi sge, %sub3A_229, %ge3A_231 : vector<16xi32>
        %lt3A_233 = arith.constant 49920 : i32
        %lt3A_234 = vector.broadcast %lt3A_233 : i32 to vector<16xi32>
        %lt3A_235 = arith.cmpi slt, %sub3A_229, %lt3A_234 : vector<16xi32>
        %and3A_236 = arith.andi %ge3A_232, %lt3A_235 : vector<16xi1>
        %min3A = arith.constant 49919 : i32
        %min3A_237 = vector.broadcast %min3A : i32 to vector<16xi32>
        %min3A_238 = arith.minsi %sub3A_229, %min3A_237 : vector<16xi32>
        %max3A = arith.constant 0 : i32
        %max3A_239 = vector.broadcast %max3A : i32 to vector<16xi32>
        %max3A_240 = arith.maxsi %max3A_239, %min3A_238 : vector<16xi32>
        %gather3A = tpu.vector_load_idx %arg6[%max3A_240] : memref<49920xf32, #tpu.memory_space<vmem>>[vector<16xi32>], vector<16xf32>,
        tpu.vector_store_idx %arg8[%broadcast_in_dim3A, %add3A_223], %gather3A masked %and3A_236 : memref<2x4096xf32, #tpu.memory_space<vmem>>[vector<16xi32>, vector<16xi32>], vector<16xf32>, vector<16xi1>
        %scan3A_241 = arith.constant 1 : i32
        %scan3A_242 = arith.addi %scan3A_219, %scan3A_241 : i32
        %mul3A_243 = arith.constant 16 : i32
        %mul3A_244 = arith.muli %scan3A_242, %mul3A_243 : i32
        %add3A_245 = vector.broadcast %mul3A_244 : i32 to vector<16xi32>
        %add3A_246 = arith.addi %add3A_245, %iota3A : vector<16xi32>
        %mul3A_247 = arith.constant 16 : i32
        %mul3A_248 = arith.muli %scan3A_242, %mul3A_247 : i32
        %get3A_249 = arith.index_cast %mul3A_248 : i32 to index
        %get3A_250 = tpu.vector_load %arg5[%get3A_249] {strides = array<i32>} : memref<4096xi32, #tpu.memory_space<vmem>>, vector<16xi32>,
        %sub3A_251 = arith.constant 0 : i32
        %sub3A_252 = vector.broadcast %sub3A_251 : i32 to vector<16xi32>
        %sub3A_253 = arith.subi %get3A_250, %sub3A_252 : vector<16xi32>
        %ge3A_254 = arith.constant 0 : i32
        %ge3A_255 = vector.broadcast %ge3A_254 : i32 to vector<16xi32>
        %ge3A_256 = arith.cmpi sge, %sub3A_253, %ge3A_255 : vector<16xi32>
        %lt3A_257 = arith.constant 49920 : i32
        %lt3A_258 = vector.broadcast %lt3A_257 : i32 to vector<16xi32>
        %lt3A_259 = arith.cmpi slt, %sub3A_253, %lt3A_258 : vector<16xi32>
        %and3A_260 = arith.andi %ge3A_256, %lt3A_259 : vector<16xi1>
        %min3A_261 = arith.constant 49919 : i32
        %min3A_262 = vector.broadcast %min3A_261 : i32 to vector<16xi32>
        %min3A_263 = arith.minsi %sub3A_253, %min3A_262 : vector<16xi32>
        %max3A_264 = arith.constant 0 : i32
        %max3A_265 = vector.broadcast %max3A_264 : i32 to vector<16xi32>
        %max3A_266 = arith.maxsi %max3A_265, %min3A_263 : vector<16xi32>
        %gather3A_267 = tpu.vector_load_idx %arg6[%max3A_266] : memref<49920xf32, #tpu.memory_space<vmem>>[vector<16xi32>], vector<16xf32>,
        tpu.vector_store_idx %arg8[%broadcast_in_dim3A, %add3A_246], %gather3A_267 masked %and3A_260 : memref<2x4096xf32, #tpu.memory_space<vmem>>[vector<16xi32>, vector<16xi32>], vector<16xf32>, vector<16xi1>
        %scan3A_268 = arith.constant 2 : i32
        %scan3A_269 = arith.addi %scan3A_219, %scan3A_268 : i32
        %mul3A_270 = arith.constant 16 : i32
        %mul3A_271 = arith.muli %scan3A_269, %mul3A_270 : i32
        %add3A_272 = vector.broadcast %mul3A_271 : i32 to vector<16xi32>
        %add3A_273 = arith.addi %add3A_272, %iota3A : vector<16xi32>
        %mul3A_274 = arith.constant 16 : i32
        %mul3A_275 = arith.muli %scan3A_269, %mul3A_274 : i32
        %get3A_276 = arith.index_cast %mul3A_275 : i32 to index
        %get3A_277 = tpu.vector_load %arg5[%get3A_276] {strides = array<i32>} : memref<4096xi32, #tpu.memory_space<vmem>>, vector<16xi32>,
        %sub3A_278 = arith.constant 0 : i32
        %sub3A_279 = vector.broadcast %sub3A_278 : i32 to vector<16xi32>
        %sub3A_280 = arith.subi %get3A_277, %sub3A_279 : vector<16xi32>
        %ge3A_281 = arith.constant 0 : i32
        %ge3A_282 = vector.broadcast %ge3A_281 : i32 to vector<16xi32>
        %ge3A_283 = arith.cmpi sge, %sub3A_280, %ge3A_282 : vector<16xi32>
        %lt3A_284 = arith.constant 49920 : i32
        %lt3A_285 = vector.broadcast %lt3A_284 : i32 to vector<16xi32>
        %lt3A_286 = arith.cmpi slt, %sub3A_280, %lt3A_285 : vector<16xi32>
        %and3A_287 = arith.andi %ge3A_283, %lt3A_286 : vector<16xi1>
        %min3A_288 = arith.constant 49919 : i32
        %min3A_289 = vector.broadcast %min3A_288 : i32 to vector<16xi32>
        %min3A_290 = arith.minsi %sub3A_280, %min3A_289 : vector<16xi32>
        %max3A_291 = arith.constant 0 : i32
        %max3A_292 = vector.broadcast %max3A_291 : i32 to vector<16xi32>
        %max3A_293 = arith.maxsi %max3A_292, %min3A_290 : vector<16xi32>
        %gather3A_294 = tpu.vector_load_idx %arg6[%max3A_293] : memref<49920xf32, #tpu.memory_space<vmem>>[vector<16xi32>], vector<16xf32>,
        tpu.vector_store_idx %arg8[%broadcast_in_dim3A, %add3A_273], %gather3A_294 masked %and3A_287 : memref<2x4096xf32, #tpu.memory_space<vmem>>[vector<16xi32>, vector<16xi32>], vector<16xf32>, vector<16xi1>
        %scan3A_295 = arith.constant 3 : i32
        %scan3A_296 = arith.addi %scan3A_219, %scan3A_295 : i32
        %mul3A_297 = arith.constant 16 : i32
        %mul3A_298 = arith.muli %scan3A_296, %mul3A_297 : i32
        %add3A_299 = vector.broadcast %mul3A_298 : i32 to vector<16xi32>
        %add3A_300 = arith.addi %add3A_299, %iota3A : vector<16xi32>
        %mul3A_301 = arith.constant 16 : i32
        %mul3A_302 = arith.muli %scan3A_296, %mul3A_301 : i32
        %get3A_303 = arith.index_cast %mul3A_302 : i32 to index
        %get3A_304 = tpu.vector_load %arg5[%get3A_303] {strides = array<i32>} : memref<4096xi32, #tpu.memory_space<vmem>>, vector<16xi32>,
        %sub3A_305 = arith.constant 0 : i32
        %sub3A_306 = vector.broadcast %sub3A_305 : i32 to vector<16xi32>
        %sub3A_307 = arith.subi %get3A_304, %sub3A_306 : vector<16xi32>
        %ge3A_308 = arith.constant 0 : i32
        %ge3A_309 = vector.broadcast %ge3A_308 : i32 to vector<16xi32>
        %ge3A_310 = arith.cmpi sge, %sub3A_307, %ge3A_309 : vector<16xi32>
        %lt3A_311 = arith.constant 49920 : i32
        %lt3A_312 = vector.broadcast %lt3A_311 : i32 to vector<16xi32>
        %lt3A_313 = arith.cmpi slt, %sub3A_307, %lt3A_312 : vector<16xi32>
        %and3A_314 = arith.andi %ge3A_310, %lt3A_313 : vector<16xi1>
        %min3A_315 = arith.constant 49919 : i32
        %min3A_316 = vector.broadcast %min3A_315 : i32 to vector<16xi32>
        %min3A_317 = arith.minsi %sub3A_307, %min3A_316 : vector<16xi32>
        %max3A_318 = arith.constant 0 : i32
        %max3A_319 = vector.broadcast %max3A_318 : i32 to vector<16xi32>
        %max3A_320 = arith.maxsi %max3A_319, %min3A_317 : vector<16xi32>
        %gather3A_321 = tpu.vector_load_idx %arg6[%max3A_320] : memref<49920xf32, #tpu.memory_space<vmem>>[vector<16xi32>], vector<16xf32>,
        tpu.vector_store_idx %arg8[%broadcast_in_dim3A, %add3A_300], %gather3A_321 masked %and3A_314 : memref<2x4096xf32, #tpu.memory_space<vmem>>[vector<16xi32>, vector<16xi32>], vector<16xf32>, vector<16xi1>
        %scan3A_322 = arith.constant 4 : i32
        %scan3A_323 = arith.addi %scan3A_219, %scan3A_322 : i32
        %mul3A_324 = arith.constant 16 : i32
        %mul3A_325 = arith.muli %scan3A_323, %mul3A_324 : i32
        %add3A_326 = vector.broadcast %mul3A_325 : i32 to vector<16xi32>
        %add3A_327 = arith.addi %add3A_326, %iota3A : vector<16xi32>
        %mul3A_328 = arith.constant 16 : i32
        %mul3A_329 = arith.muli %scan3A_323, %mul3A_328 : i32
        %get3A_330 = arith.index_cast %mul3A_329 : i32 to index
        %get3A_331 = tpu.vector_load %arg5[%get3A_330] {strides = array<i32>} : memref<4096xi32, #tpu.memory_space<vmem>>, vector<16xi32>,
        %sub3A_332 = arith.constant 0 : i32
        %sub3A_333 = vector.broadcast %sub3A_332 : i32 to vector<16xi32>
        %sub3A_334 = arith.subi %get3A_331, %sub3A_333 : vector<16xi32>
        %ge3A_335 = arith.constant 0 : i32
        %ge3A_336 = vector.broadcast %ge3A_335 : i32 to vector<16xi32>
        %ge3A_337 = arith.cmpi sge, %sub3A_334, %ge3A_336 : vector<16xi32>
        %lt3A_338 = arith.constant 49920 : i32
        %lt3A_339 = vector.broadcast %lt3A_338 : i32 to vector<16xi32>
        %lt3A_340 = arith.cmpi slt, %sub3A_334, %lt3A_339 : vector<16xi32>
        %and3A_341 = arith.andi %ge3A_337, %lt3A_340 : vector<16xi1>
        %min3A_342 = arith.constant 49919 : i32
        %min3A_343 = vector.broadcast %min3A_342 : i32 to vector<16xi32>
        %min3A_344 = arith.minsi %sub3A_334, %min3A_343 : vector<16xi32>
        %max3A_345 = arith.constant 0 : i32
        %max3A_346 = vector.broadcast %max3A_345 : i32 to vector<16xi32>
        %max3A_347 = arith.maxsi %max3A_346, %min3A_344 : vector<16xi32>
        %gather3A_348 = tpu.vector_load_idx %arg6[%max3A_347] : memref<49920xf32, #tpu.memory_space<vmem>>[vector<16xi32>], vector<16xf32>,
        tpu.vector_store_idx %arg8[%broadcast_in_dim3A, %add3A_327], %gather3A_348 masked %and3A_341 : memref<2x4096xf32, #tpu.memory_space<vmem>>[vector<16xi32>, vector<16xi32>], vector<16xf32>, vector<16xi1>
        %scan3A_349 = arith.constant 5 : i32
        %scan3A_350 = arith.addi %scan3A_219, %scan3A_349 : i32
        %mul3A_351 = arith.constant 16 : i32
        %mul3A_352 = arith.muli %scan3A_350, %mul3A_351 : i32
        %add3A_353 = vector.broadcast %mul3A_352 : i32 to vector<16xi32>
        %add3A_354 = arith.addi %add3A_353, %iota3A : vector<16xi32>
        %mul3A_355 = arith.constant 16 : i32
        %mul3A_356 = arith.muli %scan3A_350, %mul3A_355 : i32
        %get3A_357 = arith.index_cast %mul3A_356 : i32 to index
        %get3A_358 = tpu.vector_load %arg5[%get3A_357] {strides = array<i32>} : memref<4096xi32, #tpu.memory_space<vmem>>, vector<16xi32>,
        %sub3A_359 = arith.constant 0 : i32
        %sub3A_360 = vector.broadcast %sub3A_359 : i32 to vector<16xi32>
        %sub3A_361 = arith.subi %get3A_358, %sub3A_360 : vector<16xi32>
        %ge3A_362 = arith.constant 0 : i32
        %ge3A_363 = vector.broadcast %ge3A_362 : i32 to vector<16xi32>
        %ge3A_364 = arith.cmpi sge, %sub3A_361, %ge3A_363 : vector<16xi32>
        %lt3A_365 = arith.constant 49920 : i32
        %lt3A_366 = vector.broadcast %lt3A_365 : i32 to vector<16xi32>
        %lt3A_367 = arith.cmpi slt, %sub3A_361, %lt3A_366 : vector<16xi32>
        %and3A_368 = arith.andi %ge3A_364, %lt3A_367 : vector<16xi1>
        %min3A_369 = arith.constant 49919 : i32
        %min3A_370 = vector.broadcast %min3A_369 : i32 to vector<16xi32>
        %min3A_371 = arith.minsi %sub3A_361, %min3A_370 : vector<16xi32>
        %max3A_372 = arith.constant 0 : i32
        %max3A_373 = vector.broadcast %max3A_372 : i32 to vector<16xi32>
        %max3A_374 = arith.maxsi %max3A_373, %min3A_371 : vector<16xi32>
        %gather3A_375 = tpu.vector_load_idx %arg6[%max3A_374] : memref<49920xf32, #tpu.memory_space<vmem>>[vector<16xi32>], vector<16xf32>,
        tpu.vector_store_idx %arg8[%broadcast_in_dim3A, %add3A_354], %gather3A_375 masked %and3A_368 : memref<2x4096xf32, #tpu.memory_space<vmem>>[vector<16xi32>, vector<16xi32>], vector<16xf32>, vector<16xi1>
        %scan3A_376 = arith.constant 6 : i32
        %scan3A_377 = arith.addi %scan3A_219, %scan3A_376 : i32
        %mul3A_378 = arith.constant 16 : i32
        %mul3A_379 = arith.muli %scan3A_377, %mul3A_378 : i32
        %add3A_380 = vector.broadcast %mul3A_379 : i32 to vector<16xi32>
        %add3A_381 = arith.addi %add3A_380, %iota3A : vector<16xi32>
        %mul3A_382 = arith.constant 16 : i32
        %mul3A_383 = arith.muli %scan3A_377, %mul3A_382 : i32
        %get3A_384 = arith.index_cast %mul3A_383 : i32 to index
        %get3A_385 = tpu.vector_load %arg5[%get3A_384] {strides = array<i32>} : memref<4096xi32, #tpu.memory_space<vmem>>, vector<16xi32>,
        %sub3A_386 = arith.constant 0 : i32
        %sub3A_387 = vector.broadcast %sub3A_386 : i32 to vector<16xi32>
        %sub3A_388 = arith.subi %get3A_385, %sub3A_387 : vector<16xi32>
        %ge3A_389 = arith.constant 0 : i32
        %ge3A_390 = vector.broadcast %ge3A_389 : i32 to vector<16xi32>
        %ge3A_391 = arith.cmpi sge, %sub3A_388, %ge3A_390 : vector<16xi32>
        %lt3A_392 = arith.constant 49920 : i32
        %lt3A_393 = vector.broadcast %lt3A_392 : i32 to vector<16xi32>
        %lt3A_394 = arith.cmpi slt, %sub3A_388, %lt3A_393 : vector<16xi32>
        %and3A_395 = arith.andi %ge3A_391, %lt3A_394 : vector<16xi1>
        %min3A_396 = arith.constant 49919 : i32
        %min3A_397 = vector.broadcast %min3A_396 : i32 to vector<16xi32>
        %min3A_398 = arith.minsi %sub3A_388, %min3A_397 : vector<16xi32>
        %max3A_399 = arith.constant 0 : i32
        %max3A_400 = vector.broadcast %max3A_399 : i32 to vector<16xi32>
        %max3A_401 = arith.maxsi %max3A_400, %min3A_398 : vector<16xi32>
        %gather3A_402 = tpu.vector_load_idx %arg6[%max3A_401] : memref<49920xf32, #tpu.memory_space<vmem>>[vector<16xi32>], vector<16xf32>,
        tpu.vector_store_idx %arg8[%broadcast_in_dim3A, %add3A_381], %gather3A_402 masked %and3A_395 : memref<2x4096xf32, #tpu.memory_space<vmem>>[vector<16xi32>, vector<16xi32>], vector<16xf32>, vector<16xi1>
        %scan3A_403 = arith.constant 7 : i32
        %scan3A_404 = arith.addi %scan3A_219, %scan3A_403 : i32
        %mul3A_405 = arith.constant 16 : i32
        %mul3A_406 = arith.muli %scan3A_404, %mul3A_405 : i32
        %add3A_407 = vector.broadcast %mul3A_406 : i32 to vector<16xi32>
        %add3A_408 = arith.addi %add3A_407, %iota3A : vector<16xi32>
        %mul3A_409 = arith.constant 16 : i32
        %mul3A_410 = arith.muli %scan3A_404, %mul3A_409 : i32
        %get3A_411 = arith.index_cast %mul3A_410 : i32 to index
        %get3A_412 = tpu.vector_load %arg5[%get3A_411] {strides = array<i32>} : memref<4096xi32, #tpu.memory_space<vmem>>, vector<16xi32>,
        %sub3A_413 = arith.constant 0 : i32
        %sub3A_414 = vector.broadcast %sub3A_413 : i32 to vector<16xi32>
        %sub3A_415 = arith.subi %get3A_412, %sub3A_414 : vector<16xi32>
        %ge3A_416 = arith.constant 0 : i32
        %ge3A_417 = vector.broadcast %ge3A_416 : i32 to vector<16xi32>
        %ge3A_418 = arith.cmpi sge, %sub3A_415, %ge3A_417 : vector<16xi32>
        %lt3A_419 = arith.constant 49920 : i32
        %lt3A_420 = vector.broadcast %lt3A_419 : i32 to vector<16xi32>
        %lt3A_421 = arith.cmpi slt, %sub3A_415, %lt3A_420 : vector<16xi32>
        %and3A_422 = arith.andi %ge3A_418, %lt3A_421 : vector<16xi1>
        %min3A_423 = arith.constant 49919 : i32
        %min3A_424 = vector.broadcast %min3A_423 : i32 to vector<16xi32>
        %min3A_425 = arith.minsi %sub3A_415, %min3A_424 : vector<16xi32>
        %max3A_426 = arith.constant 0 : i32
        %max3A_427 = vector.broadcast %max3A_426 : i32 to vector<16xi32>
        %max3A_428 = arith.maxsi %max3A_427, %min3A_425 : vector<16xi32>
        %gather3A_429 = tpu.vector_load_idx %arg6[%max3A_428] : memref<49920xf32, #tpu.memory_space<vmem>>[vector<16xi32>], vector<16xf32>,
        tpu.vector_store_idx %arg8[%broadcast_in_dim3A, %add3A_408], %gather3A_429 masked %and3A_422 : memref<2x4096xf32, #tpu.memory_space<vmem>>[vector<16xi32>, vector<16xi32>], vector<16xf32>, vector<16xi1>
      }
      %scan3A_174 = arith.constant 256 : i32
      %add3A_175 = arith.constant 1 : i32
      %add3A_176 = arith.addi %scan3A_107, %add3A_175 : i32
      %lt3A_177 = arith.constant 26 : i32
      %lt3A_178 = arith.cmpi slt, %add3A_176, %lt3A_177 : i32
      %convert_element_type3A_179 = arith.extui %lt3A_178 : i1 to i32
      %cond3A_180 = arith.constant 0 : i32
      %cond3A_181 = arith.cmpi ne, %convert_element_type3A_179, %cond3A_180 : i32
      scf.if %cond3A_181 {
        %add3A_219 = arith.constant 1 : i32
        %add3A_220 = arith.addi %scan3A_107, %add3A_219 : i32
        %add3A_221 = arith.addi %mul3A_2, %add3A_220 : i32
        %jit3A_222 = arith.constant 32 : i32
        %div3A_223 = arith.divsi %add3A_221, %jit3A_222 : i32
        %sign3A_224 = arith.constant 0 : i32
        %sign3A_225 = arith.cmpi sgt, %add3A_221, %sign3A_224 : i32
        %sign3A_226 = arith.extui %sign3A_225 : i1 to i32
        %sign3A_227 = arith.constant 0 : i32
        %sign3A_228 = arith.cmpi slt, %add3A_221, %sign3A_227 : i32
        %sign3A_229 = arith.extui %sign3A_228 : i1 to i32
        %sign3A_230 = arith.subi %sign3A_226, %sign3A_229 : i32
        %sign3A_231 = arith.constant 0 : i32
        %sign3A_232 = arith.cmpi sgt, %jit3A_222, %sign3A_231 : i32
        %sign3A_233 = arith.extui %sign3A_232 : i1 to i32
        %sign3A_234 = arith.constant 0 : i32
        %sign3A_235 = arith.cmpi slt, %jit3A_222, %sign3A_234 : i32
        %sign3A_236 = arith.extui %sign3A_235 : i1 to i32
        %sign3A_237 = arith.subi %sign3A_233, %sign3A_236 : i32
        %ne3A_238 = arith.cmpi ne, %sign3A_230, %sign3A_237 : i32
        %rem3A_239 = arith.remsi %add3A_221, %jit3A_222 : i32
        %ne3A_240 = arith.constant 0 : i32
        %ne3A_241 = arith.cmpi ne, %rem3A_239, %ne3A_240 : i32
        %and3A_242 = arith.andi %ne3A_238, %ne3A_241 : i1
        %sub3A_243 = arith.constant 1 : i32
        %sub3A_244 = arith.subi %div3A_223, %sub3A_243 : i32
        %select_n3A_245 = arith.select %and3A_242, %sub3A_244, %div3A_223 : i32
        %mul3A_246 = arith.constant 32 : i32
        %mul3A_247 = arith.muli %select_n3A_245, %mul3A_246 : i32
        %sub3A_248 = arith.subi %add3A_221, %mul3A_247 : i32
        %dma_start3A_249 = arith.constant 0 : i32
        %dma_start3A_250 = tpu.memref_slice %arg3[%select_n3A_245, %sub3A_248, %dma_start3A_249] : memref<26x32x100000xf32, #tpu.memory_space<hbm>> -> memref<1x1x100000xf32, #tpu.memory_space<hbm>>
        %dma_start3A_251 = tpu.memref_squeeze %dma_start3A_250 : memref<1x1x100000xf32, #tpu.memory_space<hbm>> -> memref<100000xf32, #tpu.memory_space<hbm>>
        %dma_start3A_252 = arith.constant 0 : i32
        %dma_start3A_253 = tpu.memref_slice %dma_start3A_251[%dma_start3A_252] : memref<100000xf32, #tpu.memory_space<hbm>> -> memref<49920xf32, #tpu.memory_space<hbm>>
        %dma_start3A_254 = arith.constant 0 : i32
        %dma_start3A_255 = tpu.memref_slice %arg3[%select_n3A_245, %sub3A_248, %dma_start3A_254] : memref<26x32x100000xf32, #tpu.memory_space<hbm>> -> memref<1x1x100000xf32, #tpu.memory_space<hbm>>
        %dma_start3A_256 = tpu.memref_squeeze %dma_start3A_255 : memref<1x1x100000xf32, #tpu.memory_space<hbm>> -> memref<100000xf32, #tpu.memory_space<hbm>>
        %dma_start3A_257 = arith.constant 0 : i32
        %dma_start3A_258 = tpu.memref_slice %dma_start3A_256[%dma_start3A_257] : memref<100000xf32, #tpu.memory_space<hbm>> -> memref<49920xf32, #tpu.memory_space<hbm>>
        tpu.enqueue_dma source(%dma_start3A_258 : memref<49920xf32, #tpu.memory_space<hbm>>) target(%arg6 : memref<49920xf32, #tpu.memory_space<vmem>>) target_semaphore(%arg9 : memref<!tpu.dma_semaphore, #tpu.memory_space<semaphore_mem>>)
      } else {
      }
      %dma_wait3A_182 = arith.constant 0 : i32
      %dma_wait3A_183 = arith.constant 0 : i32
      %dma_wait3A_184 = arith.constant 0 : i32
      %dma_wait3A_185 = tpu.memref_slice %arg3[%dma_wait3A_182, %dma_wait3A_183, %dma_wait3A_184] : memref<26x32x100000xf32, #tpu.memory_space<hbm>> -> memref<1x1x100000xf32, #tpu.memory_space<hbm>>
      %dma_wait3A_186 = tpu.memref_squeeze %dma_wait3A_185 : memref<1x1x100000xf32, #tpu.memory_space<hbm>> -> memref<100000xf32, #tpu.memory_space<hbm>>
      %dma_wait3A_187 = arith.constant 49920 : i32
      %dma_wait3A_188 = tpu.memref_slice %dma_wait3A_186[%dma_wait3A_187] : memref<100000xf32, #tpu.memory_space<hbm>> -> memref<50080xf32, #tpu.memory_space<hbm>>
      %dma_wait3A_189 = arith.constant 0 : i32
      %dma_wait3A_190 = tpu.memref_slice %arg3[%dma_wait3A_182, %dma_wait3A_183, %dma_wait3A_189] : memref<26x32x100000xf32, #tpu.memory_space<hbm>> -> memref<1x1x100000xf32, #tpu.memory_space<hbm>>
      %dma_wait3A_191 = tpu.memref_squeeze %dma_wait3A_190 : memref<1x1x100000xf32, #tpu.memory_space<hbm>> -> memref<100000xf32, #tpu.memory_space<hbm>>
      %dma_wait3A_192 = arith.constant 49920 : i32
      %dma_wait3A_193 = tpu.memref_slice %dma_wait3A_191[%dma_wait3A_192] : memref<100000xf32, #tpu.memory_space<hbm>> -> memref<50080xf32, #tpu.memory_space<hbm>>
      tpu.wait_dma2 semaphore(%arg9 : memref<!tpu.dma_semaphore, #tpu.memory_space<semaphore_mem>>) src(%dma_wait3A_193 : memref<50080xf32, #tpu.memory_space<hbm>>) dst(%arg7 : memref<50080xf32, #tpu.memory_space<vmem>>)
      %scan3A_194 = arith.constant 0 : i32
      %scan3A_195 = arith.constant 0 : i32
      %scan3A_196 = arith.constant 256 : i32
      %scan3A_197 = arith.addi %scan3A_195, %scan3A_196 : i32
      %scan3A_198 = arith.constant 8 : i32
      scf.for %scan3A_219 = %scan3A_195 to %scan3A_197 step %scan3A_198  : i32 {
        %mul3A_220 = arith.constant 16 : i32
        %mul3A_221 = arith.muli %scan3A_219, %mul3A_220 : i32
        %add3A_222 = vector.broadcast %mul3A_221 : i32 to vector<16xi32>
        %add3A_223 = arith.addi %add3A_222, %iota3A : vector<16xi32>
        %mul3A_224 = arith.constant 16 : i32
        %mul3A_225 = arith.muli %scan3A_219, %mul3A_224 : i32
        %get3A = arith.index_cast %mul3A_225 : i32 to index
        %get3A_226 = tpu.vector_load %arg5[%get3A] {strides = array<i32>} : memref<4096xi32, #tpu.memory_space<vmem>>, vector<16xi32>,
        %sub3A_227 = arith.constant 49920 : i32
        %sub3A_228 = vector.broadcast %sub3A_227 : i32 to vector<16xi32>
        %sub3A_229 = arith.subi %get3A_226, %sub3A_228 : vector<16xi32>
        %ge3A_230 = arith.constant 0 : i32
        %ge3A_231 = vector.broadcast %ge3A_230 : i32 to vector<16xi32>
        %ge3A_232 = arith.cmpi sge, %sub3A_229, %ge3A_231 : vector<16xi32>
        %lt3A_233 = arith.constant 50080 : i32
        %lt3A_234 = vector.broadcast %lt3A_233 : i32 to vector<16xi32>
        %lt3A_235 = arith.cmpi slt, %sub3A_229, %lt3A_234 : vector<16xi32>
        %and3A_236 = arith.andi %ge3A_232, %lt3A_235 : vector<16xi1>
        %min3A = arith.constant 50079 : i32
        %min3A_237 = vector.broadcast %min3A : i32 to vector<16xi32>
        %min3A_238 = arith.minsi %sub3A_229, %min3A_237 : vector<16xi32>
        %max3A = arith.constant 0 : i32
        %max3A_239 = vector.broadcast %max3A : i32 to vector<16xi32>
        %max3A_240 = arith.maxsi %max3A_239, %min3A_238 : vector<16xi32>
        %gather3A = tpu.vector_load_idx %arg7[%max3A_240] : memref<50080xf32, #tpu.memory_space<vmem>>[vector<16xi32>], vector<16xf32>,
        tpu.vector_store_idx %arg8[%broadcast_in_dim3A, %add3A_223], %gather3A masked %and3A_236 : memref<2x4096xf32, #tpu.memory_space<vmem>>[vector<16xi32>, vector<16xi32>], vector<16xf32>, vector<16xi1>
        %scan3A_241 = arith.constant 1 : i32
        %scan3A_242 = arith.addi %scan3A_219, %scan3A_241 : i32
        %mul3A_243 = arith.constant 16 : i32
        %mul3A_244 = arith.muli %scan3A_242, %mul3A_243 : i32
        %add3A_245 = vector.broadcast %mul3A_244 : i32 to vector<16xi32>
        %add3A_246 = arith.addi %add3A_245, %iota3A : vector<16xi32>
        %mul3A_247 = arith.constant 16 : i32
        %mul3A_248 = arith.muli %scan3A_242, %mul3A_247 : i32
        %get3A_249 = arith.index_cast %mul3A_248 : i32 to index
        %get3A_250 = tpu.vector_load %arg5[%get3A_249] {strides = array<i32>} : memref<4096xi32, #tpu.memory_space<vmem>>, vector<16xi32>,
        %sub3A_251 = arith.constant 49920 : i32
        %sub3A_252 = vector.broadcast %sub3A_251 : i32 to vector<16xi32>
        %sub3A_253 = arith.subi %get3A_250, %sub3A_252 : vector<16xi32>
        %ge3A_254 = arith.constant 0 : i32
        %ge3A_255 = vector.broadcast %ge3A_254 : i32 to vector<16xi32>
        %ge3A_256 = arith.cmpi sge, %sub3A_253, %ge3A_255 : vector<16xi32>
        %lt3A_257 = arith.constant 50080 : i32
        %lt3A_258 = vector.broadcast %lt3A_257 : i32 to vector<16xi32>
        %lt3A_259 = arith.cmpi slt, %sub3A_253, %lt3A_258 : vector<16xi32>
        %and3A_260 = arith.andi %ge3A_256, %lt3A_259 : vector<16xi1>
        %min3A_261 = arith.constant 50079 : i32
        %min3A_262 = vector.broadcast %min3A_261 : i32 to vector<16xi32>
        %min3A_263 = arith.minsi %sub3A_253, %min3A_262 : vector<16xi32>
        %max3A_264 = arith.constant 0 : i32
        %max3A_265 = vector.broadcast %max3A_264 : i32 to vector<16xi32>
        %max3A_266 = arith.maxsi %max3A_265, %min3A_263 : vector<16xi32>
        %gather3A_267 = tpu.vector_load_idx %arg7[%max3A_266] : memref<50080xf32, #tpu.memory_space<vmem>>[vector<16xi32>], vector<16xf32>,
        tpu.vector_store_idx %arg8[%broadcast_in_dim3A, %add3A_246], %gather3A_267 masked %and3A_260 : memref<2x4096xf32, #tpu.memory_space<vmem>>[vector<16xi32>, vector<16xi32>], vector<16xf32>, vector<16xi1>
        %scan3A_268 = arith.constant 2 : i32
        %scan3A_269 = arith.addi %scan3A_219, %scan3A_268 : i32
        %mul3A_270 = arith.constant 16 : i32
        %mul3A_271 = arith.muli %scan3A_269, %mul3A_270 : i32
        %add3A_272 = vector.broadcast %mul3A_271 : i32 to vector<16xi32>
        %add3A_273 = arith.addi %add3A_272, %iota3A : vector<16xi32>
        %mul3A_274 = arith.constant 16 : i32
        %mul3A_275 = arith.muli %scan3A_269, %mul3A_274 : i32
        %get3A_276 = arith.index_cast %mul3A_275 : i32 to index
        %get3A_277 = tpu.vector_load %arg5[%get3A_276] {strides = array<i32>} : memref<4096xi32, #tpu.memory_space<vmem>>, vector<16xi32>,
        %sub3A_278 = arith.constant 49920 : i32
        %sub3A_279 = vector.broadcast %sub3A_278 : i32 to vector<16xi32>
        %sub3A_280 = arith.subi %get3A_277, %sub3A_279 : vector<16xi32>
        %ge3A_281 = arith.constant 0 : i32
        %ge3A_282 = vector.broadcast %ge3A_281 : i32 to vector<16xi32>
        %ge3A_283 = arith.cmpi sge, %sub3A_280, %ge3A_282 : vector<16xi32>
        %lt3A_284 = arith.constant 50080 : i32
        %lt3A_285 = vector.broadcast %lt3A_284 : i32 to vector<16xi32>
        %lt3A_286 = arith.cmpi slt, %sub3A_280, %lt3A_285 : vector<16xi32>
        %and3A_287 = arith.andi %ge3A_283, %lt3A_286 : vector<16xi1>
        %min3A_288 = arith.constant 50079 : i32
        %min3A_289 = vector.broadcast %min3A_288 : i32 to vector<16xi32>
        %min3A_290 = arith.minsi %sub3A_280, %min3A_289 : vector<16xi32>
        %max3A_291 = arith.constant 0 : i32
        %max3A_292 = vector.broadcast %max3A_291 : i32 to vector<16xi32>
        %max3A_293 = arith.maxsi %max3A_292, %min3A_290 : vector<16xi32>
        %gather3A_294 = tpu.vector_load_idx %arg7[%max3A_293] : memref<50080xf32, #tpu.memory_space<vmem>>[vector<16xi32>], vector<16xf32>,
        tpu.vector_store_idx %arg8[%broadcast_in_dim3A, %add3A_273], %gather3A_294 masked %and3A_287 : memref<2x4096xf32, #tpu.memory_space<vmem>>[vector<16xi32>, vector<16xi32>], vector<16xf32>, vector<16xi1>
        %scan3A_295 = arith.constant 3 : i32
        %scan3A_296 = arith.addi %scan3A_219, %scan3A_295 : i32
        %mul3A_297 = arith.constant 16 : i32
        %mul3A_298 = arith.muli %scan3A_296, %mul3A_297 : i32
        %add3A_299 = vector.broadcast %mul3A_298 : i32 to vector<16xi32>
        %add3A_300 = arith.addi %add3A_299, %iota3A : vector<16xi32>
        %mul3A_301 = arith.constant 16 : i32
        %mul3A_302 = arith.muli %scan3A_296, %mul3A_301 : i32
        %get3A_303 = arith.index_cast %mul3A_302 : i32 to index
        %get3A_304 = tpu.vector_load %arg5[%get3A_303] {strides = array<i32>} : memref<4096xi32, #tpu.memory_space<vmem>>, vector<16xi32>,
        %sub3A_305 = arith.constant 49920 : i32
        %sub3A_306 = vector.broadcast %sub3A_305 : i32 to vector<16xi32>
        %sub3A_307 = arith.subi %get3A_304, %sub3A_306 : vector<16xi32>
        %ge3A_308 = arith.constant 0 : i32
        %ge3A_309 = vector.broadcast %ge3A_308 : i32 to vector<16xi32>
        %ge3A_310 = arith.cmpi sge, %sub3A_307, %ge3A_309 : vector<16xi32>
        %lt3A_311 = arith.constant 50080 : i32
        %lt3A_312 = vector.broadcast %lt3A_311 : i32 to vector<16xi32>
        %lt3A_313 = arith.cmpi slt, %sub3A_307, %lt3A_312 : vector<16xi32>
        %and3A_314 = arith.andi %ge3A_310, %lt3A_313 : vector<16xi1>
        %min3A_315 = arith.constant 50079 : i32
        %min3A_316 = vector.broadcast %min3A_315 : i32 to vector<16xi32>
        %min3A_317 = arith.minsi %sub3A_307, %min3A_316 : vector<16xi32>
        %max3A_318 = arith.constant 0 : i32
        %max3A_319 = vector.broadcast %max3A_318 : i32 to vector<16xi32>
        %max3A_320 = arith.maxsi %max3A_319, %min3A_317 : vector<16xi32>
        %gather3A_321 = tpu.vector_load_idx %arg7[%max3A_320] : memref<50080xf32, #tpu.memory_space<vmem>>[vector<16xi32>], vector<16xf32>,
        tpu.vector_store_idx %arg8[%broadcast_in_dim3A, %add3A_300], %gather3A_321 masked %and3A_314 : memref<2x4096xf32, #tpu.memory_space<vmem>>[vector<16xi32>, vector<16xi32>], vector<16xf32>, vector<16xi1>
        %scan3A_322 = arith.constant 4 : i32
        %scan3A_323 = arith.addi %scan3A_219, %scan3A_322 : i32
        %mul3A_324 = arith.constant 16 : i32
        %mul3A_325 = arith.muli %scan3A_323, %mul3A_324 : i32
        %add3A_326 = vector.broadcast %mul3A_325 : i32 to vector<16xi32>
        %add3A_327 = arith.addi %add3A_326, %iota3A : vector<16xi32>
        %mul3A_328 = arith.constant 16 : i32
        %mul3A_329 = arith.muli %scan3A_323, %mul3A_328 : i32
        %get3A_330 = arith.index_cast %mul3A_329 : i32 to index
        %get3A_331 = tpu.vector_load %arg5[%get3A_330] {strides = array<i32>} : memref<4096xi32, #tpu.memory_space<vmem>>, vector<16xi32>,
        %sub3A_332 = arith.constant 49920 : i32
        %sub3A_333 = vector.broadcast %sub3A_332 : i32 to vector<16xi32>
        %sub3A_334 = arith.subi %get3A_331, %sub3A_333 : vector<16xi32>
        %ge3A_335 = arith.constant 0 : i32
        %ge3A_336 = vector.broadcast %ge3A_335 : i32 to vector<16xi32>
        %ge3A_337 = arith.cmpi sge, %sub3A_334, %ge3A_336 : vector<16xi32>
        %lt3A_338 = arith.constant 50080 : i32
        %lt3A_339 = vector.broadcast %lt3A_338 : i32 to vector<16xi32>
        %lt3A_340 = arith.cmpi slt, %sub3A_334, %lt3A_339 : vector<16xi32>
        %and3A_341 = arith.andi %ge3A_337, %lt3A_340 : vector<16xi1>
        %min3A_342 = arith.constant 50079 : i32
        %min3A_343 = vector.broadcast %min3A_342 : i32 to vector<16xi32>
        %min3A_344 = arith.minsi %sub3A_334, %min3A_343 : vector<16xi32>
        %max3A_345 = arith.constant 0 : i32
        %max3A_346 = vector.broadcast %max3A_345 : i32 to vector<16xi32>
        %max3A_347 = arith.maxsi %max3A_346, %min3A_344 : vector<16xi32>
        %gather3A_348 = tpu.vector_load_idx %arg7[%max3A_347] : memref<50080xf32, #tpu.memory_space<vmem>>[vector<16xi32>], vector<16xf32>,
        tpu.vector_store_idx %arg8[%broadcast_in_dim3A, %add3A_327], %gather3A_348 masked %and3A_341 : memref<2x4096xf32, #tpu.memory_space<vmem>>[vector<16xi32>, vector<16xi32>], vector<16xf32>, vector<16xi1>
        %scan3A_349 = arith.constant 5 : i32
        %scan3A_350 = arith.addi %scan3A_219, %scan3A_349 : i32
        %mul3A_351 = arith.constant 16 : i32
        %mul3A_352 = arith.muli %scan3A_350, %mul3A_351 : i32
        %add3A_353 = vector.broadcast %mul3A_352 : i32 to vector<16xi32>
        %add3A_354 = arith.addi %add3A_353, %iota3A : vector<16xi32>
        %mul3A_355 = arith.constant 16 : i32
        %mul3A_356 = arith.muli %scan3A_350, %mul3A_355 : i32
        %get3A_357 = arith.index_cast %mul3A_356 : i32 to index
        %get3A_358 = tpu.vector_load %arg5[%get3A_357] {strides = array<i32>} : memref<4096xi32, #tpu.memory_space<vmem>>, vector<16xi32>,
        %sub3A_359 = arith.constant 49920 : i32
        %sub3A_360 = vector.broadcast %sub3A_359 : i32 to vector<16xi32>
        %sub3A_361 = arith.subi %get3A_358, %sub3A_360 : vector<16xi32>
        %ge3A_362 = arith.constant 0 : i32
        %ge3A_363 = vector.broadcast %ge3A_362 : i32 to vector<16xi32>
        %ge3A_364 = arith.cmpi sge, %sub3A_361, %ge3A_363 : vector<16xi32>
        %lt3A_365 = arith.constant 50080 : i32
        %lt3A_366 = vector.broadcast %lt3A_365 : i32 to vector<16xi32>
        %lt3A_367 = arith.cmpi slt, %sub3A_361, %lt3A_366 : vector<16xi32>
        %and3A_368 = arith.andi %ge3A_364, %lt3A_367 : vector<16xi1>
        %min3A_369 = arith.constant 50079 : i32
        %min3A_370 = vector.broadcast %min3A_369 : i32 to vector<16xi32>
        %min3A_371 = arith.minsi %sub3A_361, %min3A_370 : vector<16xi32>
        %max3A_372 = arith.constant 0 : i32
        %max3A_373 = vector.broadcast %max3A_372 : i32 to vector<16xi32>
        %max3A_374 = arith.maxsi %max3A_373, %min3A_371 : vector<16xi32>
        %gather3A_375 = tpu.vector_load_idx %arg7[%max3A_374] : memref<50080xf32, #tpu.memory_space<vmem>>[vector<16xi32>], vector<16xf32>,
        tpu.vector_store_idx %arg8[%broadcast_in_dim3A, %add3A_354], %gather3A_375 masked %and3A_368 : memref<2x4096xf32, #tpu.memory_space<vmem>>[vector<16xi32>, vector<16xi32>], vector<16xf32>, vector<16xi1>
        %scan3A_376 = arith.constant 6 : i32
        %scan3A_377 = arith.addi %scan3A_219, %scan3A_376 : i32
        %mul3A_378 = arith.constant 16 : i32
        %mul3A_379 = arith.muli %scan3A_377, %mul3A_378 : i32
        %add3A_380 = vector.broadcast %mul3A_379 : i32 to vector<16xi32>
        %add3A_381 = arith.addi %add3A_380, %iota3A : vector<16xi32>
        %mul3A_382 = arith.constant 16 : i32
        %mul3A_383 = arith.muli %scan3A_377, %mul3A_382 : i32
        %get3A_384 = arith.index_cast %mul3A_383 : i32 to index
        %get3A_385 = tpu.vector_load %arg5[%get3A_384] {strides = array<i32>} : memref<4096xi32, #tpu.memory_space<vmem>>, vector<16xi32>,
        %sub3A_386 = arith.constant 49920 : i32
        %sub3A_387 = vector.broadcast %sub3A_386 : i32 to vector<16xi32>
        %sub3A_388 = arith.subi %get3A_385, %sub3A_387 : vector<16xi32>
        %ge3A_389 = arith.constant 0 : i32
        %ge3A_390 = vector.broadcast %ge3A_389 : i32 to vector<16xi32>
        %ge3A_391 = arith.cmpi sge, %sub3A_388, %ge3A_390 : vector<16xi32>
        %lt3A_392 = arith.constant 50080 : i32
        %lt3A_393 = vector.broadcast %lt3A_392 : i32 to vector<16xi32>
        %lt3A_394 = arith.cmpi slt, %sub3A_388, %lt3A_393 : vector<16xi32>
        %and3A_395 = arith.andi %ge3A_391, %lt3A_394 : vector<16xi1>
        %min3A_396 = arith.constant 50079 : i32
        %min3A_397 = vector.broadcast %min3A_396 : i32 to vector<16xi32>
        %min3A_398 = arith.minsi %sub3A_388, %min3A_397 : vector<16xi32>
        %max3A_399 = arith.constant 0 : i32
        %max3A_400 = vector.broadcast %max3A_399 : i32 to vector<16xi32>
        %max3A_401 = arith.maxsi %max3A_400, %min3A_398 : vector<16xi32>
        %gather3A_402 = tpu.vector_load_idx %arg7[%max3A_401] : memref<50080xf32, #tpu.memory_space<vmem>>[vector<16xi32>], vector<16xf32>,
        tpu.vector_store_idx %arg8[%broadcast_in_dim3A, %add3A_381], %gather3A_402 masked %and3A_395 : memref<2x4096xf32, #tpu.memory_space<vmem>>[vector<16xi32>, vector<16xi32>], vector<16xf32>, vector<16xi1>
        %scan3A_403 = arith.constant 7 : i32
        %scan3A_404 = arith.addi %scan3A_219, %scan3A_403 : i32
        %mul3A_405 = arith.constant 16 : i32
        %mul3A_406 = arith.muli %scan3A_404, %mul3A_405 : i32
        %add3A_407 = vector.broadcast %mul3A_406 : i32 to vector<16xi32>
        %add3A_408 = arith.addi %add3A_407, %iota3A : vector<16xi32>
        %mul3A_409 = arith.constant 16 : i32
        %mul3A_410 = arith.muli %scan3A_404, %mul3A_409 : i32
        %get3A_411 = arith.index_cast %mul3A_410 : i32 to index
        %get3A_412 = tpu.vector_load %arg5[%get3A_411] {strides = array<i32>} : memref<4096xi32, #tpu.memory_space<vmem>>, vector<16xi32>,
        %sub3A_413 = arith.constant 49920 : i32
        %sub3A_414 = vector.broadcast %sub3A_413 : i32 to vector<16xi32>
        %sub3A_415 = arith.subi %get3A_412, %sub3A_414 : vector<16xi32>
        %ge3A_416 = arith.constant 0 : i32
        %ge3A_417 = vector.broadcast %ge3A_416 : i32 to vector<16xi32>
        %ge3A_418 = arith.cmpi sge, %sub3A_415, %ge3A_417 : vector<16xi32>
        %lt3A_419 = arith.constant 50080 : i32
        %lt3A_420 = vector.broadcast %lt3A_419 : i32 to vector<16xi32>
        %lt3A_421 = arith.cmpi slt, %sub3A_415, %lt3A_420 : vector<16xi32>
        %and3A_422 = arith.andi %ge3A_418, %lt3A_421 : vector<16xi1>
        %min3A_423 = arith.constant 50079 : i32
        %min3A_424 = vector.broadcast %min3A_423 : i32 to vector<16xi32>
        %min3A_425 = arith.minsi %sub3A_415, %min3A_424 : vector<16xi32>
        %max3A_426 = arith.constant 0 : i32
        %max3A_427 = vector.broadcast %max3A_426 : i32 to vector<16xi32>
        %max3A_428 = arith.maxsi %max3A_427, %min3A_425 : vector<16xi32>
        %gather3A_429 = tpu.vector_load_idx %arg7[%max3A_428] : memref<50080xf32, #tpu.memory_space<vmem>>[vector<16xi32>], vector<16xf32>,
        tpu.vector_store_idx %arg8[%broadcast_in_dim3A, %add3A_408], %gather3A_429 masked %and3A_422 : memref<2x4096xf32, #tpu.memory_space<vmem>>[vector<16xi32>, vector<16xi32>], vector<16xf32>, vector<16xi1>
      }
      %scan3A_199 = arith.constant 256 : i32
      %add3A_200 = arith.constant 1 : i32
      %add3A_201 = arith.addi %scan3A_107, %add3A_200 : i32
      %lt3A_202 = arith.constant 26 : i32
      %lt3A_203 = arith.cmpi slt, %add3A_201, %lt3A_202 : i32
      %convert_element_type3A_204 = arith.extui %lt3A_203 : i1 to i32
      %cond3A_205 = arith.constant 0 : i32
      %cond3A_206 = arith.cmpi ne, %convert_element_type3A_204, %cond3A_205 : i32
      scf.if %cond3A_206 {
        %add3A_219 = arith.constant 1 : i32
        %add3A_220 = arith.addi %scan3A_107, %add3A_219 : i32
        %add3A_221 = arith.addi %mul3A_2, %add3A_220 : i32
        %jit3A_222 = arith.constant 32 : i32
        %div3A_223 = arith.divsi %add3A_221, %jit3A_222 : i32
        %sign3A_224 = arith.constant 0 : i32
        %sign3A_225 = arith.cmpi sgt, %add3A_221, %sign3A_224 : i32
        %sign3A_226 = arith.extui %sign3A_225 : i1 to i32
        %sign3A_227 = arith.constant 0 : i32
        %sign3A_228 = arith.cmpi slt, %add3A_221, %sign3A_227 : i32
        %sign3A_229 = arith.extui %sign3A_228 : i1 to i32
        %sign3A_230 = arith.subi %sign3A_226, %sign3A_229 : i32
        %sign3A_231 = arith.constant 0 : i32
        %sign3A_232 = arith.cmpi sgt, %jit3A_222, %sign3A_231 : i32
        %sign3A_233 = arith.extui %sign3A_232 : i1 to i32
        %sign3A_234 = arith.constant 0 : i32
        %sign3A_235 = arith.cmpi slt, %jit3A_222, %sign3A_234 : i32
        %sign3A_236 = arith.extui %sign3A_235 : i1 to i32
        %sign3A_237 = arith.subi %sign3A_233, %sign3A_236 : i32
        %ne3A_238 = arith.cmpi ne, %sign3A_230, %sign3A_237 : i32
        %rem3A_239 = arith.remsi %add3A_221, %jit3A_222 : i32
        %ne3A_240 = arith.constant 0 : i32
        %ne3A_241 = arith.cmpi ne, %rem3A_239, %ne3A_240 : i32
        %and3A_242 = arith.andi %ne3A_238, %ne3A_241 : i1
        %sub3A_243 = arith.constant 1 : i32
        %sub3A_244 = arith.subi %div3A_223, %sub3A_243 : i32
        %select_n3A_245 = arith.select %and3A_242, %sub3A_244, %div3A_223 : i32
        %mul3A_246 = arith.constant 32 : i32
        %mul3A_247 = arith.muli %select_n3A_245, %mul3A_246 : i32
        %sub3A_248 = arith.subi %add3A_221, %mul3A_247 : i32
        %dma_start3A_249 = arith.constant 0 : i32
        %dma_start3A_250 = tpu.memref_slice %arg3[%select_n3A_245, %sub3A_248, %dma_start3A_249] : memref<26x32x100000xf32, #tpu.memory_space<hbm>> -> memref<1x1x100000xf32, #tpu.memory_space<hbm>>
        %dma_start3A_251 = tpu.memref_squeeze %dma_start3A_250 : memref<1x1x100000xf32, #tpu.memory_space<hbm>> -> memref<100000xf32, #tpu.memory_space<hbm>>
        %dma_start3A_252 = arith.constant 49920 : i32
        %dma_start3A_253 = tpu.memref_slice %dma_start3A_251[%dma_start3A_252] : memref<100000xf32, #tpu.memory_space<hbm>> -> memref<50080xf32, #tpu.memory_space<hbm>>
        %dma_start3A_254 = arith.constant 0 : i32
        %dma_start3A_255 = tpu.memref_slice %arg3[%select_n3A_245, %sub3A_248, %dma_start3A_254] : memref<26x32x100000xf32, #tpu.memory_space<hbm>> -> memref<1x1x100000xf32, #tpu.memory_space<hbm>>
        %dma_start3A_256 = tpu.memref_squeeze %dma_start3A_255 : memref<1x1x100000xf32, #tpu.memory_space<hbm>> -> memref<100000xf32, #tpu.memory_space<hbm>>
        %dma_start3A_257 = arith.constant 49920 : i32
        %dma_start3A_258 = tpu.memref_slice %dma_start3A_256[%dma_start3A_257] : memref<100000xf32, #tpu.memory_space<hbm>> -> memref<50080xf32, #tpu.memory_space<hbm>>
        tpu.enqueue_dma source(%dma_start3A_258 : memref<50080xf32, #tpu.memory_space<hbm>>) target(%arg7 : memref<50080xf32, #tpu.memory_space<vmem>>) target_semaphore(%arg9 : memref<!tpu.dma_semaphore, #tpu.memory_space<semaphore_mem>>)
      } else {
      }
      %dma_start3A_207 = arith.constant 0 : i32
      %dma_start3A_208 = tpu.memref_slice %arg8[%select_n3A_122, %dma_start3A_207] : memref<2x4096xf32, #tpu.memory_space<vmem>> -> memref<1x4096xf32, #tpu.memory_space<vmem>>
      %dma_start3A_209 = tpu.memref_squeeze %dma_start3A_208 : memref<1x4096xf32, #tpu.memory_space<vmem>> -> memref<4096xf32, #tpu.memory_space<vmem>>
      %dma_start3A_210 = arith.constant 0 : i32
      %dma_start3A_211 = tpu.memref_slice %arg4[%select_n3A_147, %sub3A_150, %dma_start3A_210] : memref<26x32x4096xf32, #tpu.memory_space<hbm>> -> memref<1x1x4096xf32, #tpu.memory_space<hbm>>
      %dma_start3A_212 = tpu.memref_squeeze %dma_start3A_211 : memref<1x1x4096xf32, #tpu.memory_space<hbm>> -> memref<4096xf32, #tpu.memory_space<hbm>>
      %dma_start3A_213 = arith.constant 0 : i32
      %dma_start3A_214 = tpu.memref_slice %arg4[%select_n3A_147, %sub3A_150, %dma_start3A_213] : memref<26x32x4096xf32, #tpu.memory_space<hbm>> -> memref<1x1x4096xf32, #tpu.memory_space<hbm>>
      %dma_start3A_215 = tpu.memref_squeeze %dma_start3A_214 : memref<1x1x4096xf32, #tpu.memory_space<hbm>> -> memref<4096xf32, #tpu.memory_space<hbm>>
      %dma_start3A_216 = arith.constant 0 : i32
      %dma_start3A_217 = tpu.memref_slice %arg8[%select_n3A_122, %dma_start3A_216] : memref<2x4096xf32, #tpu.memory_space<vmem>> -> memref<1x4096xf32, #tpu.memory_space<vmem>>
      %dma_start3A_218 = tpu.memref_squeeze %dma_start3A_217 : memref<1x4096xf32, #tpu.memory_space<vmem>> -> memref<4096xf32, #tpu.memory_space<vmem>>
      tpu.enqueue_dma source(%dma_start3A_218 : memref<4096xf32, #tpu.memory_space<vmem>>) target(%dma_start3A_215 : memref<4096xf32, #tpu.memory_space<hbm>>) target_semaphore(%arg10 : memref<!tpu.dma_semaphore, #tpu.memory_space<semaphore_mem>>)
      scf.yield %select_n3A_147 : i32
    }
    %scan3A_77 = arith.constant 26 : i32
    %dma_wait3A = arith.constant 0 : i32
    %dma_wait3A_78 = arith.constant 0 : i32
    %dma_wait3A_79 = arith.constant 0 : i32
    %dma_wait3A_80 = arith.constant 0 : i32
    %dma_wait3A_81 = tpu.memref_slice %arg8[%dma_wait3A, %dma_wait3A_80] : memref<2x4096xf32, #tpu.memory_space<vmem>> -> memref<1x4096xf32, #tpu.memory_space<vmem>>
    %dma_wait3A_82 = tpu.memref_squeeze %dma_wait3A_81 : memref<1x4096xf32, #tpu.memory_space<vmem>> -> memref<4096xf32, #tpu.memory_space<vmem>>
    %dma_wait3A_83 = arith.constant 0 : i32
    %dma_wait3A_84 = tpu.memref_slice %arg4[%dma_wait3A_78, %dma_wait3A_79, %dma_wait3A_83] : memref<26x32x4096xf32, #tpu.memory_space<hbm>> -> memref<1x1x4096xf32, #tpu.memory_space<hbm>>
    %dma_wait3A_85 = tpu.memref_squeeze %dma_wait3A_84 : memref<1x1x4096xf32, #tpu.memory_space<hbm>> -> memref<4096xf32, #tpu.memory_space<hbm>>
    %dma_wait3A_86 = arith.constant 0 : i32
    %dma_wait3A_87 = tpu.memref_slice %arg4[%dma_wait3A_78, %dma_wait3A_79, %dma_wait3A_86] : memref<26x32x4096xf32, #tpu.memory_space<hbm>> -> memref<1x1x4096xf32, #tpu.memory_space<hbm>>
    %dma_wait3A_88 = tpu.memref_squeeze %dma_wait3A_87 : memref<1x1x4096xf32, #tpu.memory_space<hbm>> -> memref<4096xf32, #tpu.memory_space<hbm>>
    %dma_wait3A_89 = arith.constant 0 : i32
    %dma_wait3A_90 = tpu.memref_slice %arg8[%dma_wait3A, %dma_wait3A_89] : memref<2x4096xf32, #tpu.memory_space<vmem>> -> memref<1x4096xf32, #tpu.memory_space<vmem>>
    %dma_wait3A_91 = tpu.memref_squeeze %dma_wait3A_90 : memref<1x4096xf32, #tpu.memory_space<vmem>> -> memref<4096xf32, #tpu.memory_space<vmem>>
    tpu.wait_dma2 semaphore(%arg10 : memref<!tpu.dma_semaphore, #tpu.memory_space<semaphore_mem>>) src(%dma_wait3A_91 : memref<4096xf32, #tpu.memory_space<vmem>>) dst(%dma_wait3A_88 : memref<4096xf32, #tpu.memory_space<hbm>>)
    %dma_wait3A_92 = arith.constant 0 : i32
    %dma_wait3A_93 = arith.constant 0 : i32
    %dma_wait3A_94 = arith.constant 0 : i32
    %dma_wait3A_95 = arith.constant 0 : i32
    %dma_wait3A_96 = tpu.memref_slice %arg8[%dma_wait3A_92, %dma_wait3A_95] : memref<2x4096xf32, #tpu.memory_space<vmem>> -> memref<1x4096xf32, #tpu.memory_space<vmem>>
    %dma_wait3A_97 = tpu.memref_squeeze %dma_wait3A_96 : memref<1x4096xf32, #tpu.memory_space<vmem>> -> memref<4096xf32, #tpu.memory_space<vmem>>
    %dma_wait3A_98 = arith.constant 0 : i32
    %dma_wait3A_99 = tpu.memref_slice %arg4[%dma_wait3A_93, %dma_wait3A_94, %dma_wait3A_98] : memref<26x32x4096xf32, #tpu.memory_space<hbm>> -> memref<1x1x4096xf32, #tpu.memory_space<hbm>>
    %dma_wait3A_100 = tpu.memref_squeeze %dma_wait3A_99 : memref<1x1x4096xf32, #tpu.memory_space<hbm>> -> memref<4096xf32, #tpu.memory_space<hbm>>
    %dma_wait3A_101 = arith.constant 0 : i32
    %dma_wait3A_102 = tpu.memref_slice %arg4[%dma_wait3A_93, %dma_wait3A_94, %dma_wait3A_101] : memref<26x32x4096xf32, #tpu.memory_space<hbm>> -> memref<1x1x4096xf32, #tpu.memory_space<hbm>>
    %dma_wait3A_103 = tpu.memref_squeeze %dma_wait3A_102 : memref<1x1x4096xf32, #tpu.memory_space<hbm>> -> memref<4096xf32, #tpu.memory_space<hbm>>
    %dma_wait3A_104 = arith.constant 0 : i32
    %dma_wait3A_105 = tpu.memref_slice %arg8[%dma_wait3A_92, %dma_wait3A_104] : memref<2x4096xf32, #tpu.memory_space<vmem>> -> memref<1x4096xf32, #tpu.memory_space<vmem>>
    %dma_wait3A_106 = tpu.memref_squeeze %dma_wait3A_105 : memref<1x4096xf32, #tpu.memory_space<vmem>> -> memref<4096xf32, #tpu.memory_space<vmem>>
    tpu.wait_dma2 semaphore(%arg10 : memref<!tpu.dma_semaphore, #tpu.memory_space<semaphore_mem>>) src(%dma_wait3A_106 : memref<4096xf32, #tpu.memory_space<vmem>>) dst(%dma_wait3A_103 : memref<4096xf32, #tpu.memory_space<hbm>>)
    return
  }
}

</mosaic_0001>

<sc_bundles>
// kernel: kernel.3.cloned.1.call-start
scs
__scs_entry_jumppad:
0x0: {  	(pc) =	sbr.rel $0x88, $3  }
0x1: {  	(tag) =	ssettag $0x0;
	lr =	simm.s32 $0x1  }
0x2: {  	[smem:$0x3F9F] =	sst lr;
	_ =	strace $0xD0000000  }
0x3: {  	_ = 	snop  }
0x4: {  	_ = 	snop  }
0x5: {  	_ = 	snop  }
0x6: {  	_ = 	snop  }
0x7: {  	_ = 	snop  }
__scs_overlays_trampoline_lowered:
0x8: {  	[smem:$0x3FAE] =	sst s0  }
0x9: {  	[smem:$0x3FAF] =	sst s1  }
0xa: {  	[smem:$0x3FB0] =	sst s2  }
0xb: {  	[smem:$0x3FB1] =	sst s3  }
0xc: {  	[smem:$0x3FB2] =	sst s4  }
0xd: {  	[smem:$0x3FB3] =	sst s5  }
0xe: {  	[smem:$0x3FB4] =	sst s6  }
0xf: {  	[smem:$0x3FB5] =	sst s7  }
0x10: {  	[smem:$0x3FB6] =	sst s8  }
0x11: {  	[smem:$0x3FB7] =	sst s9;
	s0 =	simm.s32 @!p0 $0x0  }
0x12: {  	s1 =	sld [smem:$0x3F9D];
	s0 =	simm.s32 @p0 $0x1  }
0x13: {  	[smem:$0x3FB8] =	sst s0;
	s0 =	simm.s32 @!p1 $0x0  }
0x14: {  	s2 =	sld [smem:$0x3F9C];
	s0 =	simm.s32 @p1 $0x1  }
0x15: {  	[smem:$0x3FB9] =	sst s0;
	s0 =	simm.s32 @!p2 $0x0  }
0x16: {  	s3 =	sld [smem:$0x3FDB];
	s0 =	simm.s32 @p2 $0x1  }
0x17: {  	s4 =	simm.s32 $0x1BF5;
	[smem:$0x3FBB] =	sst s0  }
0x18: {  	s0 =	sld [smem:$0x3F9E];
	_ =	swait.ge [sflag:s4], $0x0  }
0x19: {  	s7 =	sld [smem:$0x3F9F]  }
0x1a: {  	s8 =	sadd.s32 $0xFFFFE003, lr  }
0x1b: {  	s9 =	sadd.s32 $0xFFFFFEF7, lr;
	s5 =	simm.s32 $0xFFFFFFFF;
	p2 =	slt.u32 s8, $0xFFFFF086  }
0x1c: {  	p1 =	slt.u32 s9, $0xF7A;
	s5 =	simm.s32 @!p2 $0x0  }
0x1d: {  	s5 =	simm.s32 @p1 $0x1;
	p0 =	seq.s32 s7, s2  }
0x1e: {  	s7 =	smul.u32 @!p0 $0xF7A, s2;
	p2 =	seq.s32 @!p0 s5, $0x0  }
0x1f: {  	s9 =	smul.u32 $0xF7A, s1;
	s8 =	simm.s32 @!p0 $0x1BF5;
	p2 =	por !p2, p0  }
0x20: {  	[sflag:s8] =	ssyncset.s32 @!p0 $0xFFFFF086;
	s6 =	sadd.s32 @!p0 s3, s7;
	s7 =	simm.s32 @!p0 $0x108  }
0x21: {  	s3 =	sadd.s32 s3, s9;
	s6 =	sadd.s32 @!p0 $0x88, s6;
	s7 =	simm.s32 @p2 $0x1082  }
0x22: {  	[simem:s7], [sflag:s8] =	dma.local @!p0 [hbm:s6], $0xF7A  }
0x23: {  	s9 =	sor.u32 $0xD0000000, s2;
	s6 =	simm.s32 $0x108;
	_ =	swait.ge @!p0 [sflag:s8], $0x0  }
0x24: {  	s3 =	sadd.s32 $0x88, s3;
	s6 =	simm.s32 @!p1 $0x1082;
	[sflag:s4] =	ssyncset.s32 $0xFFFFF086  }
0x25: {  	[simem:s6], [sflag:s4] =	dma.local [hbm:s3], $0xF7A  }
0x26: {  	[smem:$0x3F9F] =	sst s1;
	(tag) =	ssettag s2;
	_ =	strace s9  }
0x27: {  	s1 =	sld [smem:$0x3FAF]  }
0x28: {  	s2 =	sld [smem:$0x3FB0]  }
0x29: {  	s4 =	sld [smem:$0x3FB2]  }
0x2a: {  	p0 =	seq.s32 s5, $0x0;
	s5 =	sld [smem:$0x3FB3]  }
0x2b: {  	s6 =	sld [smem:$0x3FB4]  }
0x2c: {  	s7 =	sld [smem:$0x3FB5]  }
0x2d: {  	s3 =	simm.s32 $0x108;
	s8 =	sld [smem:$0x3FB6]  }
0x2e: {  	s3 =	simm.s32 @!p0 $0x1082;
	s9 =	sld [smem:$0x3FB7]  }
0x2f: {  	lr =	sadd.s32 s0, s3;
	s0 =	sld [smem:$0x3FAE]  }
0x30: {  	s3 =	sld [smem:$0x3FB1]  }
0x31: {  	[smem:$0x3FBA] =	sst s10  }
0x32: {  	s10 =	sld [smem:$0x3FB8];
	_ =	sdelay $0x3  }
0x33: {  	p0 =	seq.s32 s10, $0x1;
	s10 =	sld [smem:$0x3FBA];
	_ =	sdelay $0x3  }
0x34: {  	[smem:$0x3FBA] =	sst s10  }
0x35: {  	s10 =	sld [smem:$0x3FB9];
	_ =	sdelay $0x3  }
0x36: {  	p1 =	seq.s32 s10, $0x1;
	s10 =	sld [smem:$0x3FBA];
	_ =	sdelay $0x3  }
0x37: {  	[smem:$0x3FBA] =	sst s10  }
0x38: {  	s10 =	sld [smem:$0x3FBB]  }
0x39: {  	_ = 	snop;
	(pc) =	sbr.ind lr, $3  }
0x3a: {  	_ = 	snop  }
0x3b: {  	_ = 	snop  }
0x3c: {  	p2 =	seq.s32 s10, $0x1;
	s10 =	sld [smem:$0x3FBA]  }
0x3d: {  	_ =	shalt  }
0x3e: {  	_ =	shalt  }
0x3f: {  	_ =	shalt  }
0x40: {  	_ =	shalt  }
0x41: {  	_ =	shalt  }
0x42: {  	_ =	shalt  }
0x43: {  	_ =	shalt  }
0x44: {  	_ =	shalt  }
0x45: {  	_ =	shalt  }
0x46: {  	_ =	shalt  }
0x47: {  	_ =	shalt  }
0x48: {  	_ =	shalt  }
0x49: {  	_ =	shalt  }
0x4a: {  	_ =	shalt  }
0x4b: {  	_ =	shalt  }
0x4c: {  	_ =	shalt  }
0x4d: {  	_ =	shalt  }
0x4e: {  	_ =	shalt  }
0x4f: {  	_ =	shalt  }
0x50: {  	_ =	shalt  }
0x51: {  	_ =	shalt  }
0x52: {  	_ =	shalt  }
0x53: {  	_ =	shalt  }
0x54: {  	_ =	shalt  }
0x55: {  	_ =	shalt  }
0x56: {  	_ =	shalt  }
0x57: {  	_ =	shalt  }
0x58: {  	_ =	shalt  }
0x59: {  	_ =	shalt  }
0x5a: {  	_ =	shalt  }
0x5b: {  	_ =	shalt  }
0x5c: {  	_ =	shalt  }
0x5d: {  	_ =	shalt  }
0x5e: {  	_ =	shalt  }
0x5f: {  	_ =	shalt  }
0x60: {  	_ =	shalt  }
0x61: {  	_ =	shalt  }
0x62: {  	_ =	shalt  }
0x63: {  	_ =	shalt  }
0x64: {  	_ =	shalt  }
0x65: {  	_ =	shalt  }
0x66: {  	_ =	shalt  }
0x67: {  	_ =	shalt  }
0x68: {  	_ =	shalt  }
0x69: {  	_ =	shalt  }
0x6a: {  	_ =	shalt  }
0x6b: {  	_ =	shalt  }
0x6c: {  	_ =	shalt  }
0x6d: {  	_ =	shalt  }
0x6e: {  	_ =	shalt  }
0x6f: {  	_ =	shalt  }
0x70: {  	_ =	shalt  }
0x71: {  	_ =	shalt  }
0x72: {  	_ =	shalt  }
0x73: {  	_ =	shalt  }
0x74: {  	_ =	shalt  }
0x75: {  	_ =	shalt  }
0x76: {  	_ =	shalt  }
0x77: {  	_ =	shalt  }
0x78: {  	_ =	shalt  }
0x79: {  	_ =	shalt  }
0x7a: {  	_ =	shalt  }
0x7b: {  	_ =	shalt  }
0x7c: {  	_ =	shalt  }
0x7d: {  	_ =	shalt  }
0x7e: {  	_ =	shalt  }
0x7f: {  	_ =	shalt  }
0x80: {  	_ =	shalt  }
0x81: {  	_ =	shalt  }
0x82: {  	_ =	shalt  }
0x83: {  	_ =	shalt  }
0x84: {  	_ =	shalt  }
0x85: {  	_ =	shalt  }
0x86: {  	_ =	shalt  }
0x87: {  	_ =	shalt  }
.Lfunc_end0:
.L_simem_size_0:
called_computation_lowered:
.L_overlay_start_0:
0x88: {  	s2 =	sld [smem:$0x3FD9]  }
0x89: {  	s3 =	sld [smem:$0x3FFE];
	_ =	sdelay $0x1  }
0x8a: {  	s1 =	srdreg.scid  }
0x8b: {  	s0 =	sand.u32 $0x1, s1  }
0x8c: {  	s18 =	sshll.u32 s0, $0xA;
	s2 =	sadd.s32 s3, s2  }
0x8d: {  	s2 =	sadd.s32 s2, s18  }
0x8e: {  	[smem:$0x3FC6] =	sst s2  }
0x8f: {  	_ = 	snop  }
0x90: {  	s2 =	sld [smem:$0x3FC9]  }
0x91: {  	s19 =	sld [smem:$0x3FC8]  }
0x92: {  	s4 =	sld [smem:$0x3FD0];
	(tm) =	ssettm $0x1  }
0x93: {  	s5 =	sld [smem:$0x3FFB];
	_ =	sdelay $0x3  }
0x94: {  	_ =	strace s5  }
0x95: {  	s5 =	sld [smem:$0x3FFC];
	_ =	sdelay $0x3  }
0x96: {  	_ =	strace s5  }
0x97: {  	s5 =	sld [smem:$0x3FFD];
	_ =	sdelay $0x3  }
0x98: {  	_ =	strace s5  }
0x99: {  	_ =	strace $0x8FFFFFFF  }
0x9a: {  	s20 =	sld [smem:$0x3FDB];
	_ =	sdelay $0x1  }
0x9b: {  	s6 =	simm.s32 $_scs_section_size  }
0x9c: {  	s7 =	simm.s32 $_size__tile_overlayer_lowered;
	s8 =	simm.s32 $_tile_overlayer_lowered  }
0x9d: {  	s23 =	simm.s32 $0x1BFF;
	s22 =	sshll.u32 s8, $0x1;
	s5 =	sadd.s32 s6, s20  }
0x9e: {  	s9 =	simm.s32 $0x0;
	s21 =	sshll.u32 s7, $0x1;
	s7 =	sadd.s32 s22, s5  }
0x9f: {  	[timem:s9], [sflag:s23] =	dma.local [hbm:s7], s21  }
0xa0: {  	_ =	swait.ge [sflag:s23], s21  }
0xa1: {  	s6 =	ssub.s32 $0x0, s21;
	[sflag:s23] =	ssyncset.done $0x0  }
0xa2: {  	[sflag:s23] =	ssyncadd.s32 s6;
	_ =	sdelay $0x1  }
0xa3: {  	s24 =	simm.s32 $0x1B8B  }
0xa4: {  	_ =	swait.ge [sflag:s24], $0x1  }
0xa5: {  	[sflag:s24] =	ssyncset.done $0x0  }
0xa6: {  	s25 =	simm.s32 $0x1B8E;
	[sflag:s24] =	ssyncadd.s32 $0xFFFFFFFF  }
0xa7: {  	s26 =	simm.s32 $execute0_lowered;
	[smem:$0x3FD2] =	sst s25  }
0xa8: {  	s6 =	sshll.u32 s26, $0x1;
	_ =	strace $0x80000046;
	[dreg:$0x1] =	wrdreg $0xFFFFFFFF  }
0xa9: {  	s28 =	simm.s32 $_size_execute0_lowered;
	s5 =	sadd.s32 s5, s6;
	[dreg:$0x0] =	wrdreg $0x0  }
0xaa: {  	s6 =	sshll.u32 s28, $0x1;
	[dreg:$0x2] =	wrdreg s5  }
0xab: {  	[dreg:$0x3] =	wrdreg s6  }
0xac: {  	[dreg:$0x4] =	wrdreg $0xC0  }
0xad: {  	_ =	task [dreg:s9], $0x5FFFF  }
0xae: {  	[dreg:$0x1] =	wrdreg $0xFFFFFFFF  }
0xaf: {  	[dreg:$0x0] =	wrdreg $0x60  }
0xb0: {  	[dreg:$0x2] =	wrdreg s2  }
0xb1: {  	[dreg:$0x3] =	wrdreg s19  }
0xb2: {  	[dreg:$0x4] =	wrdreg s4  }
0xb3: {  	[dreg:$0x5] =	wrdreg $0x9  }
0xb4: {  	_ =	task.clear_ibuf [dreg:s9], $0x6FFFF;
	_ =	strace $0x90000046  }
0xb5: {  	s29 =	simm.s32 $0x9;
	_ =	strace $0x80000048  }
0xb6: {  	_ =	swait.ge [sflag:s29], $0x1  }
0xb7: {  	[sflag:s29] =	ssyncadd.s32 $0xFFFFFFFF  }
0xb8: {  	_ =	strace $0x90000048  }
0xb9: {  	_ =	sfence  }
0xba: {  	s30 =	sld [smem:$0x0];
	_ =	sdelay $0x2  }
0xbb: {  	s31 =	sshll.u32 s1, $0xD;
	s1 =	sshrl.u32 s1, $0x2  }
0xbc: {  	s3 =	sand.u32 $0x4000, s31;
	s1 =	sadd.s32 s1, s30  }
0xbd: {  	s0 =	sor.u32 s3, s0;
	s1 =	sshll.u32 s1, $0x11  }
0xbe: {  	s0 =	sor.u32 s1, s0  }
0xbf: {  	s0 =	sadd.s32 $0x8F2B, s0  }
0xc0: {  	[sflag:s0] =	ssyncadd.remote.s32 $0x1  }
0xc1: {  	_ =	sfence.sel $0xFFFF  }
0xc2: {  	[dreg:$0x0] =	wrdreg $0xFFFFFFFF;
	(pc) =	sbr.abs _section_cstart, $3  }
0xc3: {  	[dreg:$0x1] =	wrdreg $0xFFFFFFFF  }
0xc4: {  	_ =	task.clear_ibuf [dreg:s9], $0x2FFFF;
	_ =	strace $0x9FFFFFFF  }
0xc5: {  	(tm) =	ssettm $0x7FFFFFFF  }
tec
execute0_lowered:
.L_overlay_start_1:
0x0: {  	(tag) =	ssettag $0x1  }
0x1: {  	s1 =	srdreg.scid;
	s0 =	stileid.u32  }
0x2: {  	s7 =	sand.u32 $0x1, s1;
	s28 =	sshll.u32 s0, $0x1  }
0x3: {  	s3 =	sor.u32 s7, s28  }
0x4: {  	s5 =	rddreg [dreg:$0x2];
	s1 =	smul.u32 $0x1A, s3  }
0x5: {  	s10 =	simm.s32 $0x80;
	s11 =	simm.s32 $0x400;
	s12 =	simm.s32 $0x1000  }
0x6: {  	s13 =	simm.s32 $0xD300;
	s2 =	sshrl.u32 s1, $0x5;
	s4 =	sshrl.u32 s1, $0x3  }
0x7: {  	s14 =	simm.s32 $0x1;
	s6 =	smul.u32 $0x30E000, s2;
	s4 =	sand.u32 $0x3, s4  }
0x8: {  	s15 =	simm.s32 $0x19700;
	s16 =	simm.s32 $0x2;
	s8 =	smul.u32 $0xC3800, s4  }
0x9: {  	s17 =	simm.s32 $0x0;
	s9 =	ssub.s32 $0x2, s7;
	s3 =	sshll.u32 s3, $0x8  }
0xa: {  	s31 =	sshrl.u32 s9, $0x1;
	s29 =	sand.u32 $0x300, s3;
	s6 =	sadd.s32 s6, s8  }
0xb: {  	v0 =	vlaneseq.u32;
	s3 =	rddreg [dreg:$0x3];
	s9 =	ssub.s32 s9, s31;
	s8 =	sor.u32 s29, s6  }
0xc: {  	v1 =	vor.u32 $0x10, v0;
	s4 =	rddreg [dreg:$0x1];
	s6 =	simm.s32 $0x0;
	s30 =	sshrl.u32 s8, $0x3  }
0xd: {  	v2 =	vor.u32 $0x20, v0;
	v3 =	vor.u32 $0x30, v0;
	v4 =	vor.u32 $0x40, v0;
	s9 =	smax.u32 s9, $0x1;
	[smem:$0x7FF] =	sst s6;
	s7 =	sadd.s32 s4, s30  }
0xe: {  	v5 =	vor.u32 $0x50, v0;
	v6 =	vor.u32 $0x60, v0;
	v7 =	vor.u32 $0x70, v0;
	s2 =	rddreg [dreg:$0x0];
	_ =	strace $0x80000047;
	s8 =	sadd.s32 $0xC300, s7  }
.LBB2_1:
0xf: {  	[tilespmem:s12], [sflag:$0x1] =	stream.strided.gather [hbm4b:s7+s10], $0xC300, s11, s10, $0x38;
	[tilespmem:$0x1B700] =	vst v63  }
0x10: {  	s18 =	simm.s32 $0xFFFFFFFF;
	p0 =	por $0x0, $0x0;
	s21 =	simm.s32 $0x0  }
0x11: {  	[tilespmem:s13], [sflag:$0x1] =	stream.strided.gather [hbm4b:s8+s10], $0xC400, s11, s10, $0x38;
	[tilespmem:$0x1B700] =	vst v63  }
.LBB2_3:
0x12: {  	s19 =	sadd.s32 s1, s21  }
0x13: {  	s20 =	smov.u32 s18;
	s18 =	sshrl.u32 s19, $0x5  }
0x14: {  	p1 =	seq.s32 s18, s20  }
0x15: {  	s20 =	sshll.u32 @!p1 s18, $0x4  }
0x16: {  	s22 =	smov.u32 s21;
	s21 =	sshll.u32 @!p1 s18, $0x9;
	s20 =	sand.u32 @!p1 $0x70, s20  }
0x17: {  	s23 =	simm.s32 @!p1 $0x400;
	s21 =	sand.u32 @!p1 $0xFFFF000, s21;
	s20 =	sadd.s32 @!p1 s2, s20  }
0x18: {  	s24 =	simm.s32 @!p1 $0x0;
	s20 =	sadd.s32 @!p1 s21, s20;
	s21 =	simm.s32 @!p1 $0x80  }
0x19: {  	[tilespmem:s24], [sflag:$0x3] =	stream.strided.gather @!p1 [hbm4b:s20+s21], $0x1000, s23, s21, $0x38;
	[tilespmem:$0x1B700] =	vst v63  }
0x1a: {  	s20 =	simm.s32 @!p1 $0x3  }
0x1b: {  	_ =	swait.ge @!p1 [sflag:s20], $0x1000  }
0x1c: {  	p2 =	slt.u32 s22, $0x2;
	[sflag:s20] =	ssyncset.done @!p1 $0x0  }
0x1d: {  	[sflag:s20] =	ssyncadd.s32 @!p1 $0xFFFFF000;
	s20 =	simm.s32 @!p2 $0x2  }
0x1e: {  	_ =	swait.ge @!p2 [sflag:s20], $0x1000  }
0x1f: {  	[sflag:s20] =	ssyncset.done @!p2 $0x0  }
0x20: {  	s31 =	sand.u32 $0x1, s22;
	s21 =	simm.s32 $0x1;
	[sflag:s20] =	ssyncadd.s32 @!p2 $0xFFFFF000  }
0x21: {  	s23 =	simm.s32 $0x0;
	s21 =	simm.s32 @!p0 $0x0;
	_ =	swait.ge [sflag:s14], $0xC300  }
0x22: {  	v8 =	vmov s31;
	s24 =	simm.s32 $0x40;
	s30 =	sshll.u32 s21, $0x7;
	[sflag:s14] =	ssyncset.done $0x0  }
0x23: {  	v8 =	vshll.u32 v8, $0x7;
	s21 =	simm.s32 $0xFFFFFFF8;
	s20 =	sor.u32 $0x19700, s30;
	[sflag:s14] =	ssyncadd.s32 $0xFFFF3D00  }
.LBB2_4:
0x24: {  	v9 =	vld [tilespmem:s24+$0xFFFFFFC0];
	_ =	sdelay $0x4  }
0x25: {  	vm0 =	vgt.s32 v9, $0x0  }
0x26: {  	v10 =	vmov s23;
	v11 =	vnsel vm0, $0x0, v9  }
0x27: {  	v10 =	vshrl.u32 v10, $0x7;
	v11 =	vmin.u32 v11, $0xC2FF  }
0x28: {  	v10 =	vshll.u32 v10, $0x8  }
0x29: {  	v10 =	vor.u32 v8, v10  }
0x2a: {  	v10 =	vbroadcast v10, $0x0  }
0x2b: {  	vm13 =	vlt.u32 v9, $0xC300  }
0x2c: {  	v9 =	vld.idx.msk [tilespmem:v11+s12+$0x0], $0xffff;
	v11 =	vor.u32 v0, v10;
	_ =	sdelay $0x4  }
0x2d: {  	[tilespmem:v11+s15+$0x0] =	vst.idx.msk vm13, v9  }
0x2e: {  	v9 =	vld [tilespmem:s24+$0xFFFFFFD0];
	_ =	sdelay $0x4  }
0x2f: {  	vm14 =	vgt.s32 v9, $0x0  }
0x30: {  	v11 =	vnsel vm14, $0x0, v9  }
0x31: {  	v11 =	vmin.u32 v11, $0xC2FF;
	_ =	sdelay $0x3  }
0x32: {  	vm15 =	vlt.u32 v9, $0xC300  }
0x33: {  	v9 =	vld.idx.msk [tilespmem:v11+s12+$0x0], $0xffff;
	v11 =	vor.u32 v1, v10;
	_ =	sdelay $0x4  }
0x34: {  	[tilespmem:v11+s15+$0x0] =	vst.idx.msk vm15, v9  }
0x35: {  	v9 =	vld [tilespmem:s24+$0xFFFFFFE0];
	_ =	sdelay $0x4  }
0x36: {  	vm4 =	vgt.s32 v9, $0x0  }
0x37: {  	v11 =	vnsel vm4, $0x0, v9  }
0x38: {  	v11 =	vmin.u32 v11, $0xC2FF;
	_ =	sdelay $0x3  }
0x39: {  	vm5 =	vlt.u32 v9, $0xC300  }
0x3a: {  	v9 =	vld.idx.msk [tilespmem:v11+s12+$0x0], $0xffff;
	v11 =	vor.u32 v2, v10;
	_ =	sdelay $0x4  }
0x3b: {  	[tilespmem:v11+s15+$0x0] =	vst.idx.msk vm5, v9  }
0x3c: {  	v9 =	vld [tilespmem:s24+$0xFFFFFFF0];
	_ =	sdelay $0x4  }
0x3d: {  	vm6 =	vgt.s32 v9, $0x0  }
0x3e: {  	v11 =	vnsel vm6, $0x0, v9  }
0x3f: {  	v11 =	vmin.u32 v11, $0xC2FF;
	_ =	sdelay $0x3  }
0x40: {  	vm7 =	vlt.u32 v9, $0xC300  }
0x41: {  	v9 =	vld.idx.msk [tilespmem:v11+s12+$0x0], $0xffff;
	v11 =	vor.u32 v3, v10;
	_ =	sdelay $0x4  }
0x42: {  	[tilespmem:v11+s15+$0x0] =	vst.idx.msk vm7, v9  }
0x43: {  	v9 =	vld [tilespmem:s24+$0x0];
	_ =	sdelay $0x4  }
0x44: {  	vm8 =	vgt.s32 v9, $0x0  }
0x45: {  	v11 =	vnsel vm8, $0x0, v9  }
0x46: {  	v11 =	vmin.u32 v11, $0xC2FF;
	_ =	sdelay $0x3  }
0x47: {  	vm9 =	vlt.u32 v9, $0xC300  }
0x48: {  	v9 =	vld.idx.msk [tilespmem:v11+s12+$0x0], $0xffff;
	v11 =	vor.u32 v4, v10;
	_ =	sdelay $0x4  }
0x49: {  	[tilespmem:v11+s15+$0x0] =	vst.idx.msk vm9, v9  }
0x4a: {  	v9 =	vld [tilespmem:s24+$0x10];
	_ =	sdelay $0x4  }
0x4b: {  	vm10 =	vgt.s32 v9, $0x0  }
0x4c: {  	v11 =	vnsel vm10, $0x0, v9  }
0x4d: {  	v11 =	vmin.u32 v11, $0xC2FF;
	_ =	sdelay $0x3  }
0x4e: {  	vm11 =	vlt.u32 v9, $0xC300  }
0x4f: {  	v9 =	vld.idx.msk [tilespmem:v11+s12+$0x0], $0xffff;
	v11 =	vor.u32 v5, v10;
	_ =	sdelay $0x4  }
0x50: {  	[tilespmem:v11+s15+$0x0] =	vst.idx.msk vm11, v9  }
0x51: {  	v9 =	vld [tilespmem:s24+$0x20];
	_ =	sdelay $0x4  }
0x52: {  	vm12 =	vgt.s32 v9, $0x0  }
0x53: {  	v11 =	vnsel vm12, $0x0, v9  }
0x54: {  	v11 =	vmin.u32 v11, $0xC2FF;
	_ =	sdelay $0x3  }
0x55: {  	vm13 =	vlt.u32 v9, $0xC300  }
0x56: {  	v9 =	vld.idx.msk [tilespmem:v11+s12+$0x0], $0xffff;
	v11 =	vor.u32 v6, v10;
	_ =	sdelay $0x4  }
0x57: {  	[tilespmem:v11+s15+$0x0] =	vst.idx.msk vm13, v9  }
0x58: {  	v9 =	vld [tilespmem:s24+$0x30];
	_ =	sdelay $0x4  }
0x59: {  	vm14 =	vgt.s32 v9, $0x0  }
0x5a: {  	v11 =	vnsel vm14, $0x0, v9  }
0x5b: {  	v11 =	vmin.u32 v11, $0xC2FF;
	_ =	sdelay $0x3  }
0x5c: {  	s21 =	sadd.s32 $0x8, s21;
	vm15 =	vlt.u32 v9, $0xC300  }
0x5d: {  	p1 =	slt.u32 s21, $0xF8;
	v10 =	vor.u32 v7, v10;
	v9 =	vld.idx.msk [tilespmem:v11+s12+$0x0], $0xffff  }
.Ltmp0:
0x5e: {  	_ = 	snop;
	(pc) =	sbr.rel @p1 .LBB2_4-.Ltmp0, $2  }
0x5f: {  	_ =	sdelay $0x2  }
0x60: {  	s23 =	sadd.s32 $0x80, s23;
	s24 =	sadd.s32 $0x80, s24;
	[tilespmem:v10+s15+$0x0] =	vst.idx.msk vm15, v9  }
0x61: {  	s21 =	sadd.s32 $0x1, s22;
	p1 =	seq.s32 s22, $0x19  }
0x62: {  	s22 =	sadd.s32 @!p1 s1, s21  }
0x63: {  	s23 =	sshrl.u32 @!p1 s22, $0x5;
	s24 =	sshrl.u32 @!p1 s22, $0x3  }
0x64: {  	s23 =	smul.u32 @!p1 $0x30E000, s23;
	s24 =	sand.u32 @!p1 $0x3, s24  }
0x65: {  	s24 =	smul.u32 @!p1 $0xC3800, s24  }
0x66: {  	s22 =	sshll.u32 @!p1 s22, $0x7  }
0x67: {  	s22 =	sand.u32 @!p1 $0x380, s22;
	s23 =	sadd.s32 @!p1 s23, s24  }
0x68: {  	s22 =	sor.u32 @!p1 s22, s23  }
0x69: {  	s25 =	simm.s32 @!p1 $0x1000;
	s22 =	sshrl.u32 @!p1 s22, $0x3  }
0x6a: {  	s24 =	simm.s32 @!p1 $0x400;
	s23 =	simm.s32 @!p1 $0x80;
	s22 =	sadd.s32 @!p1 s4, s22  }
0x6b: {  	[tilespmem:s25], [sflag:$0x1] =	stream.strided.gather @!p1 [hbm4b:s22+s23], $0xC300, s24, s23, $0x38;
	[tilespmem:$0x1B700] =	vst v63  }
0x6c: {  	_ =	swait.ge [sflag:s14], $0xC400  }
0x6d: {  	s23 =	simm.s32 $0xFFFFFFF8;
	[sflag:s14] =	ssyncset.done $0x0  }
0x6e: {  	s24 =	simm.s32 $0x0;
	s25 =	simm.s32 $0x40;
	[sflag:s14] =	ssyncadd.s32 $0xFFFF3C00  }
.LBB2_6:
0x6f: {  	v9 =	vld [tilespmem:s25+$0xFFFFFFC0];
	_ =	sdelay $0x4  }
0x70: {  	v9 =	vadd.s32 $0xFFFF3D00, v9  }
0x71: {  	vm0 =	vgt.s32 v9, $0x0  }
0x72: {  	v10 =	vmov s24;
	v11 =	vnsel vm0, $0x0, v9  }
0x73: {  	v10 =	vshrl.u32 v10, $0x7;
	v11 =	vmin.u32 v11, $0xC39F  }
0x74: {  	v10 =	vshll.u32 v10, $0x8  }
0x75: {  	v10 =	vor.u32 v8, v10  }
0x76: {  	v10 =	vbroadcast v10, $0x0  }
0x77: {  	vm13 =	vlt.u32 v9, $0xC3A0  }
0x78: {  	v9 =	vld.idx.msk [tilespmem:v11+s13+$0x0], $0xffff;
	v11 =	vor.u32 v0, v10;
	_ =	sdelay $0x4  }
0x79: {  	[tilespmem:v11+s15+$0x0] =	vst.idx.msk vm13, v9  }
0x7a: {  	v9 =	vld [tilespmem:s25+$0xFFFFFFD0];
	_ =	sdelay $0x4  }
0x7b: {  	v9 =	vadd.s32 $0xFFFF3D00, v9  }
0x7c: {  	vm14 =	vgt.s32 v9, $0x0  }
0x7d: {  	v11 =	vnsel vm14, $0x0, v9  }
0x7e: {  	v11 =	vmin.u32 v11, $0xC39F;
	_ =	sdelay $0x3  }
0x7f: {  	vm15 =	vlt.u32 v9, $0xC3A0  }
0x80: {  	v9 =	vld.idx.msk [tilespmem:v11+s13+$0x0], $0xffff;
	v11 =	vor.u32 v1, v10;
	_ =	sdelay $0x4  }
0x81: {  	[tilespmem:v11+s15+$0x0] =	vst.idx.msk vm15, v9  }
0x82: {  	v9 =	vld [tilespmem:s25+$0xFFFFFFE0];
	_ =	sdelay $0x4  }
0x83: {  	v9 =	vadd.s32 $0xFFFF3D00, v9  }
0x84: {  	vm4 =	vgt.s32 v9, $0x0  }
0x85: {  	v11 =	vnsel vm4, $0x0, v9  }
0x86: {  	v11 =	vmin.u32 v11, $0xC39F;
	_ =	sdelay $0x3  }
0x87: {  	vm5 =	vlt.u32 v9, $0xC3A0  }
0x88: {  	v9 =	vld.idx.msk [tilespmem:v11+s13+$0x0], $0xffff;
	v11 =	vor.u32 v2, v10;
	_ =	sdelay $0x4  }
0x89: {  	[tilespmem:v11+s15+$0x0] =	vst.idx.msk vm5, v9  }
0x8a: {  	v9 =	vld [tilespmem:s25+$0xFFFFFFF0];
	_ =	sdelay $0x4  }
0x8b: {  	v9 =	vadd.s32 $0xFFFF3D00, v9  }
0x8c: {  	vm6 =	vgt.s32 v9, $0x0  }
0x8d: {  	v11 =	vnsel vm6, $0x0, v9  }
0x8e: {  	v11 =	vmin.u32 v11, $0xC39F;
	_ =	sdelay $0x3  }
0x8f: {  	vm7 =	vlt.u32 v9, $0xC3A0  }
0x90: {  	v9 =	vld.idx.msk [tilespmem:v11+s13+$0x0], $0xffff;
	v11 =	vor.u32 v3, v10;
	_ =	sdelay $0x4  }
0x91: {  	[tilespmem:v11+s15+$0x0] =	vst.idx.msk vm7, v9  }
0x92: {  	v9 =	vld [tilespmem:s25+$0x0];
	_ =	sdelay $0x4  }
0x93: {  	v9 =	vadd.s32 $0xFFFF3D00, v9  }
0x94: {  	vm8 =	vgt.s32 v9, $0x0  }
0x95: {  	v11 =	vnsel vm8, $0x0, v9  }
0x96: {  	v11 =	vmin.u32 v11, $0xC39F;
	_ =	sdelay $0x3  }
0x97: {  	vm9 =	vlt.u32 v9, $0xC3A0  }
0x98: {  	v9 =	vld.idx.msk [tilespmem:v11+s13+$0x0], $0xffff;
	v11 =	vor.u32 v4, v10;
	_ =	sdelay $0x4  }
0x99: {  	[tilespmem:v11+s15+$0x0] =	vst.idx.msk vm9, v9  }
0x9a: {  	v9 =	vld [tilespmem:s25+$0x10];
	_ =	sdelay $0x4  }
0x9b: {  	v9 =	vadd.s32 $0xFFFF3D00, v9  }
0x9c: {  	vm10 =	vgt.s32 v9, $0x0  }
0x9d: {  	v11 =	vnsel vm10, $0x0, v9  }
0x9e: {  	v11 =	vmin.u32 v11, $0xC39F;
	_ =	sdelay $0x3  }
0x9f: {  	vm11 =	vlt.u32 v9, $0xC3A0  }
0xa0: {  	v9 =	vld.idx.msk [tilespmem:v11+s13+$0x0], $0xffff;
	v11 =	vor.u32 v5, v10;
	_ =	sdelay $0x4  }
0xa1: {  	[tilespmem:v11+s15+$0x0] =	vst.idx.msk vm11, v9  }
0xa2: {  	v9 =	vld [tilespmem:s25+$0x20];
	_ =	sdelay $0x4  }
0xa3: {  	v9 =	vadd.s32 $0xFFFF3D00, v9  }
0xa4: {  	vm12 =	vgt.s32 v9, $0x0  }
0xa5: {  	v11 =	vnsel vm12, $0x0, v9  }
0xa6: {  	v11 =	vmin.u32 v11, $0xC39F;
	_ =	sdelay $0x3  }
0xa7: {  	vm13 =	vlt.u32 v9, $0xC3A0  }
0xa8: {  	v9 =	vld.idx.msk [tilespmem:v11+s13+$0x0], $0xffff;
	v11 =	vor.u32 v6, v10;
	_ =	sdelay $0x4  }
0xa9: {  	[tilespmem:v11+s15+$0x0] =	vst.idx.msk vm13, v9  }
0xaa: {  	v9 =	vld [tilespmem:s25+$0x30];
	_ =	sdelay $0x4  }
0xab: {  	v9 =	vadd.s32 $0xFFFF3D00, v9  }
0xac: {  	vm14 =	vgt.s32 v9, $0x0  }
0xad: {  	v11 =	vnsel vm14, $0x0, v9  }
0xae: {  	v11 =	vmin.u32 v11, $0xC39F;
	_ =	sdelay $0x3  }
0xaf: {  	s23 =	sadd.s32 $0x8, s23;
	vm15 =	vlt.u32 v9, $0xC3A0  }
0xb0: {  	p2 =	slt.u32 s23, $0xF8;
	v10 =	vor.u32 v7, v10;
	v9 =	vld.idx.msk [tilespmem:v11+s13+$0x0], $0xffff  }
.Ltmp1:
0xb1: {  	_ = 	snop;
	(pc) =	sbr.rel @p2 .LBB2_6-.Ltmp1, $2  }
0xb2: {  	_ =	sdelay $0x2  }
0xb3: {  	s24 =	sadd.s32 $0x80, s24;
	s25 =	sadd.s32 $0x80, s25;
	[tilespmem:v10+s15+$0x0] =	vst.idx.msk vm15, v9  }
0xb4: {  	s22 =	sadd.s32 @!p1 $0xC300, s22;
	s23 =	simm.s32 @!p1 $0x80;
	s24 =	simm.s32 @!p1 $0x400  }
0xb5: {  	s25 =	simm.s32 @!p1 $0xD300;
	s29 =	sshll.u32 s18, $0x11;
	s30 =	sshll.u32 s19, $0xC  }
0xb6: {  	[tilespmem:s25], [sflag:$0x1] =	stream.strided.gather @!p1 [hbm4b:s22+s23], $0xC400, s24, s23, $0x38;
	[tilespmem:$0x1B700] =	vst v63  }
0xb7: {  	s23 =	ssub.s32 s30, s29  }
0xb8: {  	s31 =	sshll.u32 s19, $0x7;
	s23 =	sand.u32 $0xFFFF8000, s23  }
0xb9: {  	s19 =	sand.u32 $0x380, s31;
	s22 =	sadd.s32 s29, s23  }
0xba: {  	s19 =	sor.u32 s19, s22  }
0xbb: {  	s19 =	sshrl.u32 s19, $0x3  }
0xbc: {  	s19 =	sadd.s32 s5, s19  }
0xbd: {  	s23 =	sadd.s32 $0x100, s20;
	s22 =	simm.s32 $0x80;
	s24 =	sadd.s32 $0x0, s19  }
.LBB2_8:
0xbe: {  	[hbm4b:s24+s6] =	stream.linear.scatter [tilespmem:s20], [sflag:$0x2], $0x80, $0x38;
	[tilespmem:$0x1B700] =	vst v63  }
0xbf: {  	s24 =	smov.u32 s22;
	s20 =	smov.u32 s23;
	p1 =	seq.s32 s22, $0xF80  }
.Ltmp2:
0xc0: {  	s22 =	sadd.s32 $0x80, s22;
	(pc) =	sbr.rel @!p1 .LBB2_8-.Ltmp2, $2  }
0xc1: {  	_ =	sdelay $0x2  }
0xc2: {  	s23 =	sadd.s32 $0x100, s23;
	s24 =	sadd.s32 s24, s19  }
0xc3: {  	[hbm4b:s24+s6] =	stream.linear.scatter [tilespmem:s20], [sflag:$0x2], $0x80, $0x38;
	[tilespmem:$0x1B700] =	vst v63  }
0xc4: {  	p1 =	seq.s32 s21, $0x1A  }
.Ltmp3:
0xc5: {  	_ = 	snop;
	(pc) =	sbr.rel @!p1 .LBB2_3-.Ltmp3, $2  }
0xc6: {  	_ =	sdelay $0x2  }
0xc7: {  	p0 =	por !p0, !p0  }
0xc8: {  	s17 =	sadd.s32 $0x1, s17  }
0xc9: {  	_ =	swait.ge [sflag:s16], $0x1000;
	p0 =	sne.s32 s17, s9  }
.Ltmp4:
0xca: {  	[sflag:s16] =	ssyncset.done $0x0;
	(pc) =	sbr.rel @p0 .LBB2_1-.Ltmp4, $4  }
0xcb: {  	[sflag:s16] =	ssyncadd.s32 $0xFFFFF000  }
0xcc: {  	_ =	swait.ge [sflag:s16], $0x1000  }
0xcd: {  	[sflag:s16] =	ssyncset.done $0x0  }
0xce: {  	[sflag:s16] =	ssyncadd.s32 $0xFFFFF000  }
0xcf: {  	_ =	sfence.sel $0x180000  }
0xd0: {  	[bflag:$0x0] =	sbarrier.arrive $0xFFFF  }
0xd1: {  	p0 =	sne.s32 s0, $0x0;
	_ =	strace $0x90000047  }
0xd2: {  	s0 =	sadd.s32 @!p0 $0x100000, s3;
	[bflag:$0x2] =	sbarrier.arrive $0xFFFF  }
0xd3: {  	[sflag:s0] =	ssyncadd.tile.s32 @!p0 $0x1;
	_ =	shalt  }
.Lfunc_end2:
_tile_overlayer_lowered:
.L_overlay_start_2:
0xd4: {  	(tag) =	ssettag $0x2  }
0xd5: {  	s0 =	rddreg [dreg:$0x0];
	s2 =	stileid.u32  }
0xd6: {  	s1 =	rddreg [dreg:$0x1];
	p0 =	sne.s32 s2, $0x0  }
0xd7: {  	s3 =	rddreg [dreg:$0x2];
	[bflag:$0x3] =	sbarrier.arrive $0xFFFF;
	s2 =	simm.s32 @!p0 $0x1C03  }
0xd8: {  	[timem:s3], [sflag:s2] =	dma.local @!p0 [hbm:s0], s1  }
0xd9: {  	s0 =	simm.s32 @!p0 $0x3  }
0xda: {  	_ =	swait.ge @!p0 [sflag:s0], s1  }
0xdb: {  	s1 =	ssub.s32 @!p0 $0x0, s1;
	[sflag:s0] =	ssyncset.done @!p0 $0x0  }
0xdc: {  	[sflag:s0] =	ssyncadd.s32 @!p0 s1  }
0xdd: {  	[bflag:$0x3] =	sbarrier.arrive $0xFFFF  }
0xde: {  	_ =	shalt  }

</sc_bundles>
